<compile_context>
chip_gen: v7x
topology: tpu7x:2x2x1
jax: 0.10.2.dev20260603
libtpu: 0.0.44.dev20260713+nightly
codegen_flags: <defaults>
</compile_context>

<pallas_src>
import jax
import jax.numpy as jnp
from jax import lax
from jax.experimental import pallas as pl
from jax.experimental.pallas import tpu as pltpu
from jax.experimental.pallas import tpu_sc as plsc

_MAGIC = 12582912.0

N_ROWS = 1048576
NW = 32
ROWS_PER_W = N_ROWS // NW
CHUNK = 512
NCHUNK = ROWS_PER_W // CHUNK
GROUPS = CHUNK // 16


def _rne(x):
    return (x + _MAGIC) - _MAGIC


def _decode8(zs):
    fs, ds, absds = [], [], []
    sum_f = sum_d2 = m = None
    for z in zs:
        f = _rne(z)
        d = z - f
        a = jnp.abs(d)
        d2 = d * d
        sum_f = f if sum_f is None else sum_f + f
        sum_d2 = d2 if sum_d2 is None else sum_d2 + d2
        m = a if m is None else jnp.maximum(m, a)
        fs.append(f)
        ds.append(d)
        absds.append(a)
    h = sum_f * 0.5
    odd = _rne(h) != h
    dist = sum_d2 + jnp.where(odd, 1.0 - (m + m), 0.0)
    modd = jnp.where(odd, m, -1.0)
    gs = []
    for f, d, a in zip(fs, ds, absds):
        stp = jnp.where(d >= 0, 1.0, -1.0)
        gs.append(f + jnp.where(a == modd, stp, 0.0))
    return gs, dist


def _sc_kernel(x_hbm, o_hbm, v):
    cid = lax.axis_index("c")
    sid = lax.axis_index("s")
    wid = sid * 2 + cid
    iota16 = lax.iota(jnp.int32, 16)
    cols = [jnp.full((16,), j, jnp.int32) for j in range(8)]

    def chunk_body(c, carry):
        base = wid * ROWS_PER_W + c * CHUNK
        pltpu.sync_copy(x_hbm.at[pl.ds(base, CHUNK)], v)

        def body(g, carry2):
            ridx = g * 16 + iota16
            xs = [plsc.load_gather(v, [ridx, cols[j]]) for j in range(8)]
            g0s, d0 = _decode8(xs)
            g1s, d1 = _decode8([x - 0.5 for x in xs])
            ch = d0 <= d1
            for j in range(8):
                y = jnp.where(ch, g0s[j], g1s[j] + 0.5)
                plsc.store_scatter(v, [ridx, cols[j]], y)
            return carry2

        lax.fori_loop(0, GROUPS, body, 0)
        pltpu.sync_copy(v, o_hbm.at[pl.ds(base, CHUNK)])
        return carry

    lax.fori_loop(0, NCHUNK, chunk_body, 0)


@jax.jit
def _e8_sc(x):
    mesh = plsc.VectorSubcoreMesh(core_axis_name="c", subcore_axis_name="s")
    f = pl.kernel(
        _sc_kernel,
        mesh=mesh,
        out_type=jax.ShapeDtypeStruct((N_ROWS, 8), jnp.float32),
        scratch_types=[
            pltpu.VMEM((CHUNK, 8), jnp.float32),
        ],
        compiler_params=pltpu.CompilerParams(needs_layout_passes=False),
    )
    return f(x)


def kernel(x):
    return _e8_sc(x)

# --- scband reference (transcript-rebuilt; emitter-appended) ---
"""Pipeline reference for scband-lattice-constrained-layer-5592047420119 (READ-ONLY COPY).

The authoritative reference and input builder live on the scoring server;
editing this copy changes nothing except your own understanding.
"""

import jax, jax.numpy as jnp
import numpy as np


def _closest_Dn(x):
    # Closest point in the checkerboard lattice D_n (integer vectors with even coordinate sum).
    # Conway & Sloane: round to nearest integers; if the sum is odd, re-round the coordinate
    # with the largest rounding error to its second-nearest integer.
    f = jnp.round(x)
    delta = x - f
    abs_d = jnp.abs(delta)
    k = jnp.argmax(abs_d, axis=-1)
    onehot = jax.nn.one_hot(k, x.shape[-1], dtype=x.dtype)
    sign = jnp.sign(delta)
    sign = jnp.where(sign == 0, jnp.ones_like(sign), sign)
    step = jnp.take_along_axis(sign, k[..., None], axis=-1)
    g = f + onehot * step
    parity = jnp.mod(jnp.abs(jnp.sum(f, axis=-1)), 2.0)
    return jnp.where(parity[..., None] != 0, g, f)


def _e8_closest(x):
    # E8 = D8 union (D8 + 1/2); pick the nearer of the two coset decodings.
    y0 = _closest_Dn(x)
    y1 = _closest_Dn(x - 0.5) + 0.5
    d0 = jnp.sum((x - y0) ** 2, axis=-1, keepdims=True)
    d1 = jnp.sum((x - y1) ** 2, axis=-1, keepdims=True)
    return jnp.where(d0 <= d1, y0, y1)


def setup_inputs(seed: int = 0) -> dict:
    key = jax.random.key(seed)
    x = jax.random.normal(key, (1048576, 8), dtype=jnp.float32)
    return {"x": x}


def reference(x):
    # LatticeConstrainedLayer.forward: map each row of x to its closest E8 lattice point.
    # The torch original loops over rows and detaches; here it is fully vectorized and,
    # matching the detach semantics, the output is piecewise-constant in x.
    constrained_x = _e8_closest(x)
    return constrained_x

if __name__ == "__main__":
    import jax
    _d = setup_inputs()
    print(jax.jit(kernel)(*tuple(_d.values())))

</pallas_src>

<mosaic_0001>
#map = affine_map<(d0, d1) -> (0, 0)>
module attributes {stable_mosaic.version = 14 : i64} {
  func.func @_sc_kernel(%arg0: i32, %arg1: i32, %arg2: memref<1048576x8xf32, #tpu.memory_space<hbm>>, %arg3: memref<1048576x8xf32, #tpu.memory_space<hbm>>, %arg4: memref<512x8xf32, #tpu.memory_space<vmem>>) attributes {dimension_semantics = [#tpu.dimension_semantics<core_parallel>, #tpu.dimension_semantics<subcore_parallel>], iteration_bounds = array<i64: 2, 16>, scalar_prefetch = 0 : i64, scratch_operands = 1 : i64, tpu.core_type = #tpu.core_type<sc_vector_subcore>, window_params = [{transform_indices = #map}, {transform_indices = #map}]} {
    %mul3A = arith.constant 2 : i32
    %mul3A_0 = arith.muli %arg1, %mul3A : i32
    %add3A = arith.addi %mul3A_0, %arg0 : i32
    %iota3A = tpu.iota {dimensions = array<i32: 0>} : vector<16xi32>
    %broadcast_in_dim3A = arith.constant 0 : i32
    %broadcast_in_dim3A_1 = vector.broadcast %broadcast_in_dim3A : i32 to vector<16xi32>
    %broadcast_in_dim3A_2 = arith.constant 1 : i32
    %broadcast_in_dim3A_3 = vector.broadcast %broadcast_in_dim3A_2 : i32 to vector<16xi32>
    %broadcast_in_dim3A_4 = arith.constant 2 : i32
    %broadcast_in_dim3A_5 = vector.broadcast %broadcast_in_dim3A_4 : i32 to vector<16xi32>
    %broadcast_in_dim3A_6 = arith.constant 3 : i32
    %broadcast_in_dim3A_7 = vector.broadcast %broadcast_in_dim3A_6 : i32 to vector<16xi32>
    %broadcast_in_dim3A_8 = arith.constant 4 : i32
    %broadcast_in_dim3A_9 = vector.broadcast %broadcast_in_dim3A_8 : i32 to vector<16xi32>
    %broadcast_in_dim3A_10 = arith.constant 5 : i32
    %broadcast_in_dim3A_11 = vector.broadcast %broadcast_in_dim3A_10 : i32 to vector<16xi32>
    %broadcast_in_dim3A_12 = arith.constant 6 : i32
    %broadcast_in_dim3A_13 = vector.broadcast %broadcast_in_dim3A_12 : i32 to vector<16xi32>
    %broadcast_in_dim3A_14 = arith.constant 7 : i32
    %broadcast_in_dim3A_15 = vector.broadcast %broadcast_in_dim3A_14 : i32 to vector<16xi32>
    %scan3A = arith.constant 0 : i32
    %scan3A_16 = arith.constant 0 : i32
    %scan3A_17 = arith.constant 64 : i32
    %scan3A_18 = arith.addi %scan3A_16, %scan3A_17 : i32
    %scan3A_19 = arith.constant 1 : i32
    scf.for %scan3A_21 = %scan3A_16 to %scan3A_18 step %scan3A_19  : i32 {
      %mul3A_22 = arith.constant 32768 : i32
      %mul3A_23 = arith.muli %add3A, %mul3A_22 : i32
      %mul3A_24 = arith.constant 512 : i32
      %mul3A_25 = arith.muli %scan3A_21, %mul3A_24 : i32
      %add3A_26 = arith.addi %mul3A_23, %mul3A_25 : i32
      "tpu.region"() ({
        %run_scoped3A = tpu.sem_alloc : memref<!tpu.dma_semaphore, #tpu.memory_space<semaphore_mem>>
        %dma_start3A = arith.constant 0 : i32
        %dma_start3A_33 = tpu.memref_slice %arg2[%add3A_26, %dma_start3A] : memref<1048576x8xf32, #tpu.memory_space<hbm>> -> memref<512x8xf32, #tpu.memory_space<hbm>>
        %dma_start3A_34 = arith.constant 0 : i32
        %dma_start3A_35 = tpu.memref_slice %arg2[%add3A_26, %dma_start3A_34] : memref<1048576x8xf32, #tpu.memory_space<hbm>> -> memref<512x8xf32, #tpu.memory_space<hbm>>
        tpu.enqueue_dma source(%dma_start3A_35 : memref<512x8xf32, #tpu.memory_space<hbm>>) target(%arg4 : memref<512x8xf32, #tpu.memory_space<vmem>>) target_semaphore(%run_scoped3A : memref<!tpu.dma_semaphore, #tpu.memory_space<semaphore_mem>>)
        %dma_wait3A = arith.constant 0 : i32
        %dma_wait3A_36 = tpu.memref_slice %arg2[%add3A_26, %dma_wait3A] : memref<1048576x8xf32, #tpu.memory_space<hbm>> -> memref<512x8xf32, #tpu.memory_space<hbm>>
        %dma_wait3A_37 = arith.constant 0 : i32
        %dma_wait3A_38 = tpu.memref_slice %arg2[%add3A_26, %dma_wait3A_37] : memref<1048576x8xf32, #tpu.memory_space<hbm>> -> memref<512x8xf32, #tpu.memory_space<hbm>>
        tpu.wait_dma2 semaphore(%run_scoped3A : memref<!tpu.dma_semaphore, #tpu.memory_space<semaphore_mem>>) src(%dma_wait3A_38 : memref<512x8xf32, #tpu.memory_space<hbm>>) dst(%arg4 : memref<512x8xf32, #tpu.memory_space<vmem>>)
        tpu.yield
      }) : () -> ()
      %scan3A_27 = arith.constant 0 : i32
      %scan3A_28 = arith.constant 0 : i32
      %scan3A_29 = arith.constant 32 : i32
      %scan3A_30 = arith.addi %scan3A_28, %scan3A_29 : i32
      %scan3A_31 = arith.constant 1 : i32
      scf.for %scan3A_33 = %scan3A_28 to %scan3A_30 step %scan3A_31  : i32 {
        %mul3A_34 = arith.constant 16 : i32
        %mul3A_35 = arith.muli %scan3A_33, %mul3A_34 : i32
        %add3A_36 = vector.broadcast %mul3A_35 : i32 to vector<16xi32>
        %add3A_37 = arith.addi %add3A_36, %iota3A : vector<16xi32>
        %gather3A = tpu.vector_load_idx %arg4[%add3A_37, %broadcast_in_dim3A_1] : memref<512x8xf32, #tpu.memory_space<vmem>>[vector<16xi32>, vector<16xi32>], vector<16xf32>,
        %gather3A_38 = tpu.vector_load_idx %arg4[%add3A_37, %broadcast_in_dim3A_3] : memref<512x8xf32, #tpu.memory_space<vmem>>[vector<16xi32>, vector<16xi32>], vector<16xf32>,
        %gather3A_39 = tpu.vector_load_idx %arg4[%add3A_37, %broadcast_in_dim3A_5] : memref<512x8xf32, #tpu.memory_space<vmem>>[vector<16xi32>, vector<16xi32>], vector<16xf32>,
        %gather3A_40 = tpu.vector_load_idx %arg4[%add3A_37, %broadcast_in_dim3A_7] : memref<512x8xf32, #tpu.memory_space<vmem>>[vector<16xi32>, vector<16xi32>], vector<16xf32>,
        %gather3A_41 = tpu.vector_load_idx %arg4[%add3A_37, %broadcast_in_dim3A_9] : memref<512x8xf32, #tpu.memory_space<vmem>>[vector<16xi32>, vector<16xi32>], vector<16xf32>,
        %gather3A_42 = tpu.vector_load_idx %arg4[%add3A_37, %broadcast_in_dim3A_11] : memref<512x8xf32, #tpu.memory_space<vmem>>[vector<16xi32>, vector<16xi32>], vector<16xf32>,
        %gather3A_43 = tpu.vector_load_idx %arg4[%add3A_37, %broadcast_in_dim3A_13] : memref<512x8xf32, #tpu.memory_space<vmem>>[vector<16xi32>, vector<16xi32>], vector<16xf32>,
        %gather3A_44 = tpu.vector_load_idx %arg4[%add3A_37, %broadcast_in_dim3A_15] : memref<512x8xf32, #tpu.memory_space<vmem>>[vector<16xi32>, vector<16xi32>], vector<16xf32>,
        %add3A_45 = arith.constant 0x4B400000 : f32
        %add3A_46 = vector.broadcast %add3A_45 : f32 to vector<16xf32>
        %add3A_47 = arith.addf %gather3A, %add3A_46 : vector<16xf32>
        %sub3A = arith.constant 0x4B400000 : f32
        %sub3A_48 = vector.broadcast %sub3A : f32 to vector<16xf32>
        %sub3A_49 = arith.subf %add3A_47, %sub3A_48 : vector<16xf32>
        %sub3A_50 = arith.subf %gather3A, %sub3A_49 : vector<16xf32>
        %abs3A = math.absf %sub3A_50 : vector<16xf32>
        %mul3A_51 = arith.mulf %sub3A_50, %sub3A_50 : vector<16xf32>
        %add3A_52 = arith.constant 0x4B400000 : f32
        %add3A_53 = vector.broadcast %add3A_52 : f32 to vector<16xf32>
        %add3A_54 = arith.addf %gather3A_38, %add3A_53 : vector<16xf32>
        %sub3A_55 = arith.constant 0x4B400000 : f32
        %sub3A_56 = vector.broadcast %sub3A_55 : f32 to vector<16xf32>
        %sub3A_57 = arith.subf %add3A_54, %sub3A_56 : vector<16xf32>
        %sub3A_58 = arith.subf %gather3A_38, %sub3A_57 : vector<16xf32>
        %abs3A_59 = math.absf %sub3A_58 : vector<16xf32>
        %mul3A_60 = arith.mulf %sub3A_58, %sub3A_58 : vector<16xf32>
        %add3A_61 = arith.addf %sub3A_49, %sub3A_57 : vector<16xf32>
        %add3A_62 = arith.addf %mul3A_51, %mul3A_60 : vector<16xf32>
        %max3A = arith.maximumf %abs3A, %abs3A_59 : vector<16xf32>
        %add3A_63 = arith.constant 0x4B400000 : f32
        %add3A_64 = vector.broadcast %add3A_63 : f32 to vector<16xf32>
        %add3A_65 = arith.addf %gather3A_39, %add3A_64 : vector<16xf32>
        %sub3A_66 = arith.constant 0x4B400000 : f32
        %sub3A_67 = vector.broadcast %sub3A_66 : f32 to vector<16xf32>
        %sub3A_68 = arith.subf %add3A_65, %sub3A_67 : vector<16xf32>
        %sub3A_69 = arith.subf %gather3A_39, %sub3A_68 : vector<16xf32>
        %abs3A_70 = math.absf %sub3A_69 : vector<16xf32>
        %mul3A_71 = arith.mulf %sub3A_69, %sub3A_69 : vector<16xf32>
        %add3A_72 = arith.addf %add3A_61, %sub3A_68 : vector<16xf32>
        %add3A_73 = arith.addf %add3A_62, %mul3A_71 : vector<16xf32>
        %max3A_74 = arith.maximumf %max3A, %abs3A_70 : vector<16xf32>
        %add3A_75 = arith.constant 0x4B400000 : f32
        %add3A_76 = vector.broadcast %add3A_75 : f32 to vector<16xf32>
        %add3A_77 = arith.addf %gather3A_40, %add3A_76 : vector<16xf32>
        %sub3A_78 = arith.constant 0x4B400000 : f32
        %sub3A_79 = vector.broadcast %sub3A_78 : f32 to vector<16xf32>
        %sub3A_80 = arith.subf %add3A_77, %sub3A_79 : vector<16xf32>
        %sub3A_81 = arith.subf %gather3A_40, %sub3A_80 : vector<16xf32>
        %abs3A_82 = math.absf %sub3A_81 : vector<16xf32>
        %mul3A_83 = arith.mulf %sub3A_81, %sub3A_81 : vector<16xf32>
        %add3A_84 = arith.addf %add3A_72, %sub3A_80 : vector<16xf32>
        %add3A_85 = arith.addf %add3A_73, %mul3A_83 : vector<16xf32>
        %max3A_86 = arith.maximumf %max3A_74, %abs3A_82 : vector<16xf32>
        %add3A_87 = arith.constant 0x4B400000 : f32
        %add3A_88 = vector.broadcast %add3A_87 : f32 to vector<16xf32>
        %add3A_89 = arith.addf %gather3A_41, %add3A_88 : vector<16xf32>
        %sub3A_90 = arith.constant 0x4B400000 : f32
        %sub3A_91 = vector.broadcast %sub3A_90 : f32 to vector<16xf32>
        %sub3A_92 = arith.subf %add3A_89, %sub3A_91 : vector<16xf32>
        %sub3A_93 = arith.subf %gather3A_41, %sub3A_92 : vector<16xf32>
        %abs3A_94 = math.absf %sub3A_93 : vector<16xf32>
        %mul3A_95 = arith.mulf %sub3A_93, %sub3A_93 : vector<16xf32>
        %add3A_96 = arith.addf %add3A_84, %sub3A_92 : vector<16xf32>
        %add3A_97 = arith.addf %add3A_85, %mul3A_95 : vector<16xf32>
        %max3A_98 = arith.maximumf %max3A_86, %abs3A_94 : vector<16xf32>
        %add3A_99 = arith.constant 0x4B400000 : f32
        %add3A_100 = vector.broadcast %add3A_99 : f32 to vector<16xf32>
        %add3A_101 = arith.addf %gather3A_42, %add3A_100 : vector<16xf32>
        %sub3A_102 = arith.constant 0x4B400000 : f32
        %sub3A_103 = vector.broadcast %sub3A_102 : f32 to vector<16xf32>
        %sub3A_104 = arith.subf %add3A_101, %sub3A_103 : vector<16xf32>
        %sub3A_105 = arith.subf %gather3A_42, %sub3A_104 : vector<16xf32>
        %abs3A_106 = math.absf %sub3A_105 : vector<16xf32>
        %mul3A_107 = arith.mulf %sub3A_105, %sub3A_105 : vector<16xf32>
        %add3A_108 = arith.addf %add3A_96, %sub3A_104 : vector<16xf32>
        %add3A_109 = arith.addf %add3A_97, %mul3A_107 : vector<16xf32>
        %max3A_110 = arith.maximumf %max3A_98, %abs3A_106 : vector<16xf32>
        %add3A_111 = arith.constant 0x4B400000 : f32
        %add3A_112 = vector.broadcast %add3A_111 : f32 to vector<16xf32>
        %add3A_113 = arith.addf %gather3A_43, %add3A_112 : vector<16xf32>
        %sub3A_114 = arith.constant 0x4B400000 : f32
        %sub3A_115 = vector.broadcast %sub3A_114 : f32 to vector<16xf32>
        %sub3A_116 = arith.subf %add3A_113, %sub3A_115 : vector<16xf32>
        %sub3A_117 = arith.subf %gather3A_43, %sub3A_116 : vector<16xf32>
        %abs3A_118 = math.absf %sub3A_117 : vector<16xf32>
        %mul3A_119 = arith.mulf %sub3A_117, %sub3A_117 : vector<16xf32>
        %add3A_120 = arith.addf %add3A_108, %sub3A_116 : vector<16xf32>
        %add3A_121 = arith.addf %add3A_109, %mul3A_119 : vector<16xf32>
        %max3A_122 = arith.maximumf %max3A_110, %abs3A_118 : vector<16xf32>
        %add3A_123 = arith.constant 0x4B400000 : f32
        %add3A_124 = vector.broadcast %add3A_123 : f32 to vector<16xf32>
        %add3A_125 = arith.addf %gather3A_44, %add3A_124 : vector<16xf32>
        %sub3A_126 = arith.constant 0x4B400000 : f32
        %sub3A_127 = vector.broadcast %sub3A_126 : f32 to vector<16xf32>
        %sub3A_128 = arith.subf %add3A_125, %sub3A_127 : vector<16xf32>
        %sub3A_129 = arith.subf %gather3A_44, %sub3A_128 : vector<16xf32>
        %abs3A_130 = math.absf %sub3A_129 : vector<16xf32>
        %mul3A_131 = arith.mulf %sub3A_129, %sub3A_129 : vector<16xf32>
        %add3A_132 = arith.addf %add3A_120, %sub3A_128 : vector<16xf32>
        %add3A_133 = arith.addf %add3A_121, %mul3A_131 : vector<16xf32>
        %max3A_134 = arith.maximumf %max3A_122, %abs3A_130 : vector<16xf32>
        %mul3A_135 = arith.constant 5.000000e-01 : f32
        %mul3A_136 = vector.broadcast %mul3A_135 : f32 to vector<16xf32>
        %mul3A_137 = arith.mulf %add3A_132, %mul3A_136 : vector<16xf32>
        %add3A_138 = arith.constant 0x4B400000 : f32
        %add3A_139 = vector.broadcast %add3A_138 : f32 to vector<16xf32>
        %add3A_140 = arith.addf %mul3A_137, %add3A_139 : vector<16xf32>
        %sub3A_141 = arith.constant 0x4B400000 : f32
        %sub3A_142 = vector.broadcast %sub3A_141 : f32 to vector<16xf32>
        %sub3A_143 = arith.subf %add3A_140, %sub3A_142 : vector<16xf32>
        %ne3A = arith.cmpf one, %sub3A_143, %mul3A_137 : vector<16xf32>
        %add3A_144 = arith.addf %max3A_134, %max3A_134 : vector<16xf32>
        %sub3A_145 = arith.constant 1.000000e+00 : f32
        %sub3A_146 = vector.broadcast %sub3A_145 : f32 to vector<16xf32>
        %sub3A_147 = arith.subf %sub3A_146, %add3A_144 : vector<16xf32>
        %jit3A = arith.constant 0.000000e+00 : f32
        %broadcast_in_dim3A_148 = vector.broadcast %jit3A : f32 to vector<16xf32>
        %select_n3A = arith.select %ne3A, %sub3A_147, %broadcast_in_dim3A_148 : vector<16xi1>, vector<16xf32>
        %add3A_149 = arith.addf %add3A_133, %select_n3A : vector<16xf32>
        %jit3A_150 = arith.constant -1.000000e+00 : f32
        %broadcast_in_dim3A_151 = vector.broadcast %jit3A_150 : f32 to vector<16xf32>
        %select_n3A_152 = arith.select %ne3A, %max3A_134, %broadcast_in_dim3A_151 : vector<16xi1>, vector<16xf32>
        %ge3A = arith.constant 0.000000e+00 : f32
        %ge3A_153 = vector.broadcast %ge3A : f32 to vector<16xf32>
        %ge3A_154 = arith.cmpf oge, %sub3A_50, %ge3A_153 : vector<16xf32>
        %jit3A_155 = arith.constant 1.000000e+00 : f32
        %jit3A_156 = arith.constant -1.000000e+00 : f32
        %broadcast_in_dim3A_157 = vector.broadcast %jit3A_155 : f32 to vector<16xf32>
        %broadcast_in_dim3A_158 = vector.broadcast %jit3A_156 : f32 to vector<16xf32>
        %select_n3A_159 = arith.select %ge3A_154, %broadcast_in_dim3A_157, %broadcast_in_dim3A_158 : vector<16xi1>, vector<16xf32>
        %eq3A = arith.cmpf oeq, %abs3A, %select_n3A_152 : vector<16xf32>
        %jit3A_160 = arith.constant 0.000000e+00 : f32
        %broadcast_in_dim3A_161 = vector.broadcast %jit3A_160 : f32 to vector<16xf32>
        %select_n3A_162 = arith.select %eq3A, %select_n3A_159, %broadcast_in_dim3A_161 : vector<16xi1>, vector<16xf32>
        %add3A_163 = arith.addf %sub3A_49, %select_n3A_162 : vector<16xf32>
        %ge3A_164 = arith.constant 0.000000e+00 : f32
        %ge3A_165 = vector.broadcast %ge3A_164 : f32 to vector<16xf32>
        %ge3A_166 = arith.cmpf oge, %sub3A_58, %ge3A_165 : vector<16xf32>
        %jit3A_167 = arith.constant 1.000000e+00 : f32
        %jit3A_168 = arith.constant -1.000000e+00 : f32
        %broadcast_in_dim3A_169 = vector.broadcast %jit3A_167 : f32 to vector<16xf32>
        %broadcast_in_dim3A_170 = vector.broadcast %jit3A_168 : f32 to vector<16xf32>
        %select_n3A_171 = arith.select %ge3A_166, %broadcast_in_dim3A_169, %broadcast_in_dim3A_170 : vector<16xi1>, vector<16xf32>
        %eq3A_172 = arith.cmpf oeq, %abs3A_59, %select_n3A_152 : vector<16xf32>
        %jit3A_173 = arith.constant 0.000000e+00 : f32
        %broadcast_in_dim3A_174 = vector.broadcast %jit3A_173 : f32 to vector<16xf32>
        %select_n3A_175 = arith.select %eq3A_172, %select_n3A_171, %broadcast_in_dim3A_174 : vector<16xi1>, vector<16xf32>
        %add3A_176 = arith.addf %sub3A_57, %select_n3A_175 : vector<16xf32>
        %ge3A_177 = arith.constant 0.000000e+00 : f32
        %ge3A_178 = vector.broadcast %ge3A_177 : f32 to vector<16xf32>
        %ge3A_179 = arith.cmpf oge, %sub3A_69, %ge3A_178 : vector<16xf32>
        %jit3A_180 = arith.constant 1.000000e+00 : f32
        %jit3A_181 = arith.constant -1.000000e+00 : f32
        %broadcast_in_dim3A_182 = vector.broadcast %jit3A_180 : f32 to vector<16xf32>
        %broadcast_in_dim3A_183 = vector.broadcast %jit3A_181 : f32 to vector<16xf32>
        %select_n3A_184 = arith.select %ge3A_179, %broadcast_in_dim3A_182, %broadcast_in_dim3A_183 : vector<16xi1>, vector<16xf32>
        %eq3A_185 = arith.cmpf oeq, %abs3A_70, %select_n3A_152 : vector<16xf32>
        %jit3A_186 = arith.constant 0.000000e+00 : f32
        %broadcast_in_dim3A_187 = vector.broadcast %jit3A_186 : f32 to vector<16xf32>
        %select_n3A_188 = arith.select %eq3A_185, %select_n3A_184, %broadcast_in_dim3A_187 : vector<16xi1>, vector<16xf32>
        %add3A_189 = arith.addf %sub3A_68, %select_n3A_188 : vector<16xf32>
        %ge3A_190 = arith.constant 0.000000e+00 : f32
        %ge3A_191 = vector.broadcast %ge3A_190 : f32 to vector<16xf32>
        %ge3A_192 = arith.cmpf oge, %sub3A_81, %ge3A_191 : vector<16xf32>
        %jit3A_193 = arith.constant 1.000000e+00 : f32
        %jit3A_194 = arith.constant -1.000000e+00 : f32
        %broadcast_in_dim3A_195 = vector.broadcast %jit3A_193 : f32 to vector<16xf32>
        %broadcast_in_dim3A_196 = vector.broadcast %jit3A_194 : f32 to vector<16xf32>
        %select_n3A_197 = arith.select %ge3A_192, %broadcast_in_dim3A_195, %broadcast_in_dim3A_196 : vector<16xi1>, vector<16xf32>
        %eq3A_198 = arith.cmpf oeq, %abs3A_82, %select_n3A_152 : vector<16xf32>
        %jit3A_199 = arith.constant 0.000000e+00 : f32
        %broadcast_in_dim3A_200 = vector.broadcast %jit3A_199 : f32 to vector<16xf32>
        %select_n3A_201 = arith.select %eq3A_198, %select_n3A_197, %broadcast_in_dim3A_200 : vector<16xi1>, vector<16xf32>
        %add3A_202 = arith.addf %sub3A_80, %select_n3A_201 : vector<16xf32>
        %ge3A_203 = arith.constant 0.000000e+00 : f32
        %ge3A_204 = vector.broadcast %ge3A_203 : f32 to vector<16xf32>
        %ge3A_205 = arith.cmpf oge, %sub3A_93, %ge3A_204 : vector<16xf32>
        %jit3A_206 = arith.constant 1.000000e+00 : f32
        %jit3A_207 = arith.constant -1.000000e+00 : f32
        %broadcast_in_dim3A_208 = vector.broadcast %jit3A_206 : f32 to vector<16xf32>
        %broadcast_in_dim3A_209 = vector.broadcast %jit3A_207 : f32 to vector<16xf32>
        %select_n3A_210 = arith.select %ge3A_205, %broadcast_in_dim3A_208, %broadcast_in_dim3A_209 : vector<16xi1>, vector<16xf32>
        %eq3A_211 = arith.cmpf oeq, %abs3A_94, %select_n3A_152 : vector<16xf32>
        %jit3A_212 = arith.constant 0.000000e+00 : f32
        %broadcast_in_dim3A_213 = vector.broadcast %jit3A_212 : f32 to vector<16xf32>
        %select_n3A_214 = arith.select %eq3A_211, %select_n3A_210, %broadcast_in_dim3A_213 : vector<16xi1>, vector<16xf32>
        %add3A_215 = arith.addf %sub3A_92, %select_n3A_214 : vector<16xf32>
        %ge3A_216 = arith.constant 0.000000e+00 : f32
        %ge3A_217 = vector.broadcast %ge3A_216 : f32 to vector<16xf32>
        %ge3A_218 = arith.cmpf oge, %sub3A_105, %ge3A_217 : vector<16xf32>
        %jit3A_219 = arith.constant 1.000000e+00 : f32
        %jit3A_220 = arith.constant -1.000000e+00 : f32
        %broadcast_in_dim3A_221 = vector.broadcast %jit3A_219 : f32 to vector<16xf32>
        %broadcast_in_dim3A_222 = vector.broadcast %jit3A_220 : f32 to vector<16xf32>
        %select_n3A_223 = arith.select %ge3A_218, %broadcast_in_dim3A_221, %broadcast_in_dim3A_222 : vector<16xi1>, vector<16xf32>
        %eq3A_224 = arith.cmpf oeq, %abs3A_106, %select_n3A_152 : vector<16xf32>
        %jit3A_225 = arith.constant 0.000000e+00 : f32
        %broadcast_in_dim3A_226 = vector.broadcast %jit3A_225 : f32 to vector<16xf32>
        %select_n3A_227 = arith.select %eq3A_224, %select_n3A_223, %broadcast_in_dim3A_226 : vector<16xi1>, vector<16xf32>
        %add3A_228 = arith.addf %sub3A_104, %select_n3A_227 : vector<16xf32>
        %ge3A_229 = arith.constant 0.000000e+00 : f32
        %ge3A_230 = vector.broadcast %ge3A_229 : f32 to vector<16xf32>
        %ge3A_231 = arith.cmpf oge, %sub3A_117, %ge3A_230 : vector<16xf32>
        %jit3A_232 = arith.constant 1.000000e+00 : f32
        %jit3A_233 = arith.constant -1.000000e+00 : f32
        %broadcast_in_dim3A_234 = vector.broadcast %jit3A_232 : f32 to vector<16xf32>
        %broadcast_in_dim3A_235 = vector.broadcast %jit3A_233 : f32 to vector<16xf32>
        %select_n3A_236 = arith.select %ge3A_231, %broadcast_in_dim3A_234, %broadcast_in_dim3A_235 : vector<16xi1>, vector<16xf32>
        %eq3A_237 = arith.cmpf oeq, %abs3A_118, %select_n3A_152 : vector<16xf32>
        %jit3A_238 = arith.constant 0.000000e+00 : f32
        %broadcast_in_dim3A_239 = vector.broadcast %jit3A_238 : f32 to vector<16xf32>
        %select_n3A_240 = arith.select %eq3A_237, %select_n3A_236, %broadcast_in_dim3A_239 : vector<16xi1>, vector<16xf32>
        %add3A_241 = arith.addf %sub3A_116, %select_n3A_240 : vector<16xf32>
        %ge3A_242 = arith.constant 0.000000e+00 : f32
        %ge3A_243 = vector.broadcast %ge3A_242 : f32 to vector<16xf32>
        %ge3A_244 = arith.cmpf oge, %sub3A_129, %ge3A_243 : vector<16xf32>
        %jit3A_245 = arith.constant 1.000000e+00 : f32
        %jit3A_246 = arith.constant -1.000000e+00 : f32
        %broadcast_in_dim3A_247 = vector.broadcast %jit3A_245 : f32 to vector<16xf32>
        %broadcast_in_dim3A_248 = vector.broadcast %jit3A_246 : f32 to vector<16xf32>
        %select_n3A_249 = arith.select %ge3A_244, %broadcast_in_dim3A_247, %broadcast_in_dim3A_248 : vector<16xi1>, vector<16xf32>
        %eq3A_250 = arith.cmpf oeq, %abs3A_130, %select_n3A_152 : vector<16xf32>
        %jit3A_251 = arith.constant 0.000000e+00 : f32
        %broadcast_in_dim3A_252 = vector.broadcast %jit3A_251 : f32 to vector<16xf32>
        %select_n3A_253 = arith.select %eq3A_250, %select_n3A_249, %broadcast_in_dim3A_252 : vector<16xi1>, vector<16xf32>
        %add3A_254 = arith.addf %sub3A_128, %select_n3A_253 : vector<16xf32>
        %sub3A_255 = arith.constant 5.000000e-01 : f32
        %sub3A_256 = vector.broadcast %sub3A_255 : f32 to vector<16xf32>
        %sub3A_257 = arith.subf %gather3A, %sub3A_256 : vector<16xf32>
        %sub3A_258 = arith.constant 5.000000e-01 : f32
        %sub3A_259 = vector.broadcast %sub3A_258 : f32 to vector<16xf32>
        %sub3A_260 = arith.subf %gather3A_38, %sub3A_259 : vector<16xf32>
        %sub3A_261 = arith.constant 5.000000e-01 : f32
        %sub3A_262 = vector.broadcast %sub3A_261 : f32 to vector<16xf32>
        %sub3A_263 = arith.subf %gather3A_39, %sub3A_262 : vector<16xf32>
        %sub3A_264 = arith.constant 5.000000e-01 : f32
        %sub3A_265 = vector.broadcast %sub3A_264 : f32 to vector<16xf32>
        %sub3A_266 = arith.subf %gather3A_40, %sub3A_265 : vector<16xf32>
        %sub3A_267 = arith.constant 5.000000e-01 : f32
        %sub3A_268 = vector.broadcast %sub3A_267 : f32 to vector<16xf32>
        %sub3A_269 = arith.subf %gather3A_41, %sub3A_268 : vector<16xf32>
        %sub3A_270 = arith.constant 5.000000e-01 : f32
        %sub3A_271 = vector.broadcast %sub3A_270 : f32 to vector<16xf32>
        %sub3A_272 = arith.subf %gather3A_42, %sub3A_271 : vector<16xf32>
        %sub3A_273 = arith.constant 5.000000e-01 : f32
        %sub3A_274 = vector.broadcast %sub3A_273 : f32 to vector<16xf32>
        %sub3A_275 = arith.subf %gather3A_43, %sub3A_274 : vector<16xf32>
        %sub3A_276 = arith.constant 5.000000e-01 : f32
        %sub3A_277 = vector.broadcast %sub3A_276 : f32 to vector<16xf32>
        %sub3A_278 = arith.subf %gather3A_44, %sub3A_277 : vector<16xf32>
        %add3A_279 = arith.constant 0x4B400000 : f32
        %add3A_280 = vector.broadcast %add3A_279 : f32 to vector<16xf32>
        %add3A_281 = arith.addf %sub3A_257, %add3A_280 : vector<16xf32>
        %sub3A_282 = arith.constant 0x4B400000 : f32
        %sub3A_283 = vector.broadcast %sub3A_282 : f32 to vector<16xf32>
        %sub3A_284 = arith.subf %add3A_281, %sub3A_283 : vector<16xf32>
        %sub3A_285 = arith.subf %sub3A_257, %sub3A_284 : vector<16xf32>
        %abs3A_286 = math.absf %sub3A_285 : vector<16xf32>
        %mul3A_287 = arith.mulf %sub3A_285, %sub3A_285 : vector<16xf32>
        %add3A_288 = arith.constant 0x4B400000 : f32
        %add3A_289 = vector.broadcast %add3A_288 : f32 to vector<16xf32>
        %add3A_290 = arith.addf %sub3A_260, %add3A_289 : vector<16xf32>
        %sub3A_291 = arith.constant 0x4B400000 : f32
        %sub3A_292 = vector.broadcast %sub3A_291 : f32 to vector<16xf32>
        %sub3A_293 = arith.subf %add3A_290, %sub3A_292 : vector<16xf32>
        %sub3A_294 = arith.subf %sub3A_260, %sub3A_293 : vector<16xf32>
        %abs3A_295 = math.absf %sub3A_294 : vector<16xf32>
        %mul3A_296 = arith.mulf %sub3A_294, %sub3A_294 : vector<16xf32>
        %add3A_297 = arith.addf %sub3A_284, %sub3A_293 : vector<16xf32>
        %add3A_298 = arith.addf %mul3A_287, %mul3A_296 : vector<16xf32>
        %max3A_299 = arith.maximumf %abs3A_286, %abs3A_295 : vector<16xf32>
        %add3A_300 = arith.constant 0x4B400000 : f32
        %add3A_301 = vector.broadcast %add3A_300 : f32 to vector<16xf32>
        %add3A_302 = arith.addf %sub3A_263, %add3A_301 : vector<16xf32>
        %sub3A_303 = arith.constant 0x4B400000 : f32
        %sub3A_304 = vector.broadcast %sub3A_303 : f32 to vector<16xf32>
        %sub3A_305 = arith.subf %add3A_302, %sub3A_304 : vector<16xf32>
        %sub3A_306 = arith.subf %sub3A_263, %sub3A_305 : vector<16xf32>
        %abs3A_307 = math.absf %sub3A_306 : vector<16xf32>
        %mul3A_308 = arith.mulf %sub3A_306, %sub3A_306 : vector<16xf32>
        %add3A_309 = arith.addf %add3A_297, %sub3A_305 : vector<16xf32>
        %add3A_310 = arith.addf %add3A_298, %mul3A_308 : vector<16xf32>
        %max3A_311 = arith.maximumf %max3A_299, %abs3A_307 : vector<16xf32>
        %add3A_312 = arith.constant 0x4B400000 : f32
        %add3A_313 = vector.broadcast %add3A_312 : f32 to vector<16xf32>
        %add3A_314 = arith.addf %sub3A_266, %add3A_313 : vector<16xf32>
        %sub3A_315 = arith.constant 0x4B400000 : f32
        %sub3A_316 = vector.broadcast %sub3A_315 : f32 to vector<16xf32>
        %sub3A_317 = arith.subf %add3A_314, %sub3A_316 : vector<16xf32>
        %sub3A_318 = arith.subf %sub3A_266, %sub3A_317 : vector<16xf32>
        %abs3A_319 = math.absf %sub3A_318 : vector<16xf32>
        %mul3A_320 = arith.mulf %sub3A_318, %sub3A_318 : vector<16xf32>
        %add3A_321 = arith.addf %add3A_309, %sub3A_317 : vector<16xf32>
        %add3A_322 = arith.addf %add3A_310, %mul3A_320 : vector<16xf32>
        %max3A_323 = arith.maximumf %max3A_311, %abs3A_319 : vector<16xf32>
        %add3A_324 = arith.constant 0x4B400000 : f32
        %add3A_325 = vector.broadcast %add3A_324 : f32 to vector<16xf32>
        %add3A_326 = arith.addf %sub3A_269, %add3A_325 : vector<16xf32>
        %sub3A_327 = arith.constant 0x4B400000 : f32
        %sub3A_328 = vector.broadcast %sub3A_327 : f32 to vector<16xf32>
        %sub3A_329 = arith.subf %add3A_326, %sub3A_328 : vector<16xf32>
        %sub3A_330 = arith.subf %sub3A_269, %sub3A_329 : vector<16xf32>
        %abs3A_331 = math.absf %sub3A_330 : vector<16xf32>
        %mul3A_332 = arith.mulf %sub3A_330, %sub3A_330 : vector<16xf32>
        %add3A_333 = arith.addf %add3A_321, %sub3A_329 : vector<16xf32>
        %add3A_334 = arith.addf %add3A_322, %mul3A_332 : vector<16xf32>
        %max3A_335 = arith.maximumf %max3A_323, %abs3A_331 : vector<16xf32>
        %add3A_336 = arith.constant 0x4B400000 : f32
        %add3A_337 = vector.broadcast %add3A_336 : f32 to vector<16xf32>
        %add3A_338 = arith.addf %sub3A_272, %add3A_337 : vector<16xf32>
        %sub3A_339 = arith.constant 0x4B400000 : f32
        %sub3A_340 = vector.broadcast %sub3A_339 : f32 to vector<16xf32>
        %sub3A_341 = arith.subf %add3A_338, %sub3A_340 : vector<16xf32>
        %sub3A_342 = arith.subf %sub3A_272, %sub3A_341 : vector<16xf32>
        %abs3A_343 = math.absf %sub3A_342 : vector<16xf32>
        %mul3A_344 = arith.mulf %sub3A_342, %sub3A_342 : vector<16xf32>
        %add3A_345 = arith.addf %add3A_333, %sub3A_341 : vector<16xf32>
        %add3A_346 = arith.addf %add3A_334, %mul3A_344 : vector<16xf32>
        %max3A_347 = arith.maximumf %max3A_335, %abs3A_343 : vector<16xf32>
        %add3A_348 = arith.constant 0x4B400000 : f32
        %add3A_349 = vector.broadcast %add3A_348 : f32 to vector<16xf32>
        %add3A_350 = arith.addf %sub3A_275, %add3A_349 : vector<16xf32>
        %sub3A_351 = arith.constant 0x4B400000 : f32
        %sub3A_352 = vector.broadcast %sub3A_351 : f32 to vector<16xf32>
        %sub3A_353 = arith.subf %add3A_350, %sub3A_352 : vector<16xf32>
        %sub3A_354 = arith.subf %sub3A_275, %sub3A_353 : vector<16xf32>
        %abs3A_355 = math.absf %sub3A_354 : vector<16xf32>
        %mul3A_356 = arith.mulf %sub3A_354, %sub3A_354 : vector<16xf32>
        %add3A_357 = arith.addf %add3A_345, %sub3A_353 : vector<16xf32>
        %add3A_358 = arith.addf %add3A_346, %mul3A_356 : vector<16xf32>
        %max3A_359 = arith.maximumf %max3A_347, %abs3A_355 : vector<16xf32>
        %add3A_360 = arith.constant 0x4B400000 : f32
        %add3A_361 = vector.broadcast %add3A_360 : f32 to vector<16xf32>
        %add3A_362 = arith.addf %sub3A_278, %add3A_361 : vector<16xf32>
        %sub3A_363 = arith.constant 0x4B400000 : f32
        %sub3A_364 = vector.broadcast %sub3A_363 : f32 to vector<16xf32>
        %sub3A_365 = arith.subf %add3A_362, %sub3A_364 : vector<16xf32>
        %sub3A_366 = arith.subf %sub3A_278, %sub3A_365 : vector<16xf32>
        %abs3A_367 = math.absf %sub3A_366 : vector<16xf32>
        %mul3A_368 = arith.mulf %sub3A_366, %sub3A_366 : vector<16xf32>
        %add3A_369 = arith.addf %add3A_357, %sub3A_365 : vector<16xf32>
        %add3A_370 = arith.addf %add3A_358, %mul3A_368 : vector<16xf32>
        %max3A_371 = arith.maximumf %max3A_359, %abs3A_367 : vector<16xf32>
        %mul3A_372 = arith.constant 5.000000e-01 : f32
        %mul3A_373 = vector.broadcast %mul3A_372 : f32 to vector<16xf32>
        %mul3A_374 = arith.mulf %add3A_369, %mul3A_373 : vector<16xf32>
        %add3A_375 = arith.constant 0x4B400000 : f32
        %add3A_376 = vector.broadcast %add3A_375 : f32 to vector<16xf32>
        %add3A_377 = arith.addf %mul3A_374, %add3A_376 : vector<16xf32>
        %sub3A_378 = arith.constant 0x4B400000 : f32
        %sub3A_379 = vector.broadcast %sub3A_378 : f32 to vector<16xf32>
        %sub3A_380 = arith.subf %add3A_377, %sub3A_379 : vector<16xf32>
        %ne3A_381 = arith.cmpf one, %sub3A_380, %mul3A_374 : vector<16xf32>
        %add3A_382 = arith.addf %max3A_371, %max3A_371 : vector<16xf32>
        %sub3A_383 = arith.constant 1.000000e+00 : f32
        %sub3A_384 = vector.broadcast %sub3A_383 : f32 to vector<16xf32>
        %sub3A_385 = arith.subf %sub3A_384, %add3A_382 : vector<16xf32>
        %jit3A_386 = arith.constant 0.000000e+00 : f32
        %broadcast_in_dim3A_387 = vector.broadcast %jit3A_386 : f32 to vector<16xf32>
        %select_n3A_388 = arith.select %ne3A_381, %sub3A_385, %broadcast_in_dim3A_387 : vector<16xi1>, vector<16xf32>
        %add3A_389 = arith.addf %add3A_370, %select_n3A_388 : vector<16xf32>
        %jit3A_390 = arith.constant -1.000000e+00 : f32
        %broadcast_in_dim3A_391 = vector.broadcast %jit3A_390 : f32 to vector<16xf32>
        %select_n3A_392 = arith.select %ne3A_381, %max3A_371, %broadcast_in_dim3A_391 : vector<16xi1>, vector<16xf32>
        %ge3A_393 = arith.constant 0.000000e+00 : f32
        %ge3A_394 = vector.broadcast %ge3A_393 : f32 to vector<16xf32>
        %ge3A_395 = arith.cmpf oge, %sub3A_285, %ge3A_394 : vector<16xf32>
        %jit3A_396 = arith.constant 1.000000e+00 : f32
        %jit3A_397 = arith.constant -1.000000e+00 : f32
        %broadcast_in_dim3A_398 = vector.broadcast %jit3A_396 : f32 to vector<16xf32>
        %broadcast_in_dim3A_399 = vector.broadcast %jit3A_397 : f32 to vector<16xf32>
        %select_n3A_400 = arith.select %ge3A_395, %broadcast_in_dim3A_398, %broadcast_in_dim3A_399 : vector<16xi1>, vector<16xf32>
        %eq3A_401 = arith.cmpf oeq, %abs3A_286, %select_n3A_392 : vector<16xf32>
        %jit3A_402 = arith.constant 0.000000e+00 : f32
        %broadcast_in_dim3A_403 = vector.broadcast %jit3A_402 : f32 to vector<16xf32>
        %select_n3A_404 = arith.select %eq3A_401, %select_n3A_400, %broadcast_in_dim3A_403 : vector<16xi1>, vector<16xf32>
        %add3A_405 = arith.addf %sub3A_284, %select_n3A_404 : vector<16xf32>
        %ge3A_406 = arith.constant 0.000000e+00 : f32
        %ge3A_407 = vector.broadcast %ge3A_406 : f32 to vector<16xf32>
        %ge3A_408 = arith.cmpf oge, %sub3A_294, %ge3A_407 : vector<16xf32>
        %jit3A_409 = arith.constant 1.000000e+00 : f32
        %jit3A_410 = arith.constant -1.000000e+00 : f32
        %broadcast_in_dim3A_411 = vector.broadcast %jit3A_409 : f32 to vector<16xf32>
        %broadcast_in_dim3A_412 = vector.broadcast %jit3A_410 : f32 to vector<16xf32>
        %select_n3A_413 = arith.select %ge3A_408, %broadcast_in_dim3A_411, %broadcast_in_dim3A_412 : vector<16xi1>, vector<16xf32>
        %eq3A_414 = arith.cmpf oeq, %abs3A_295, %select_n3A_392 : vector<16xf32>
        %jit3A_415 = arith.constant 0.000000e+00 : f32
        %broadcast_in_dim3A_416 = vector.broadcast %jit3A_415 : f32 to vector<16xf32>
        %select_n3A_417 = arith.select %eq3A_414, %select_n3A_413, %broadcast_in_dim3A_416 : vector<16xi1>, vector<16xf32>
        %add3A_418 = arith.addf %sub3A_293, %select_n3A_417 : vector<16xf32>
        %ge3A_419 = arith.constant 0.000000e+00 : f32
        %ge3A_420 = vector.broadcast %ge3A_419 : f32 to vector<16xf32>
        %ge3A_421 = arith.cmpf oge, %sub3A_306, %ge3A_420 : vector<16xf32>
        %jit3A_422 = arith.constant 1.000000e+00 : f32
        %jit3A_423 = arith.constant -1.000000e+00 : f32
        %broadcast_in_dim3A_424 = vector.broadcast %jit3A_422 : f32 to vector<16xf32>
        %broadcast_in_dim3A_425 = vector.broadcast %jit3A_423 : f32 to vector<16xf32>
        %select_n3A_426 = arith.select %ge3A_421, %broadcast_in_dim3A_424, %broadcast_in_dim3A_425 : vector<16xi1>, vector<16xf32>
        %eq3A_427 = arith.cmpf oeq, %abs3A_307, %select_n3A_392 : vector<16xf32>
        %jit3A_428 = arith.constant 0.000000e+00 : f32
        %broadcast_in_dim3A_429 = vector.broadcast %jit3A_428 : f32 to vector<16xf32>
        %select_n3A_430 = arith.select %eq3A_427, %select_n3A_426, %broadcast_in_dim3A_429 : vector<16xi1>, vector<16xf32>
        %add3A_431 = arith.addf %sub3A_305, %select_n3A_430 : vector<16xf32>
        %ge3A_432 = arith.constant 0.000000e+00 : f32
        %ge3A_433 = vector.broadcast %ge3A_432 : f32 to vector<16xf32>
        %ge3A_434 = arith.cmpf oge, %sub3A_318, %ge3A_433 : vector<16xf32>
        %jit3A_435 = arith.constant 1.000000e+00 : f32
        %jit3A_436 = arith.constant -1.000000e+00 : f32
        %broadcast_in_dim3A_437 = vector.broadcast %jit3A_435 : f32 to vector<16xf32>
        %broadcast_in_dim3A_438 = vector.broadcast %jit3A_436 : f32 to vector<16xf32>
        %select_n3A_439 = arith.select %ge3A_434, %broadcast_in_dim3A_437, %broadcast_in_dim3A_438 : vector<16xi1>, vector<16xf32>
        %eq3A_440 = arith.cmpf oeq, %abs3A_319, %select_n3A_392 : vector<16xf32>
        %jit3A_441 = arith.constant 0.000000e+00 : f32
        %broadcast_in_dim3A_442 = vector.broadcast %jit3A_441 : f32 to vector<16xf32>
        %select_n3A_443 = arith.select %eq3A_440, %select_n3A_439, %broadcast_in_dim3A_442 : vector<16xi1>, vector<16xf32>
        %add3A_444 = arith.addf %sub3A_317, %select_n3A_443 : vector<16xf32>
        %ge3A_445 = arith.constant 0.000000e+00 : f32
        %ge3A_446 = vector.broadcast %ge3A_445 : f32 to vector<16xf32>
        %ge3A_447 = arith.cmpf oge, %sub3A_330, %ge3A_446 : vector<16xf32>
        %jit3A_448 = arith.constant 1.000000e+00 : f32
        %jit3A_449 = arith.constant -1.000000e+00 : f32
        %broadcast_in_dim3A_450 = vector.broadcast %jit3A_448 : f32 to vector<16xf32>
        %broadcast_in_dim3A_451 = vector.broadcast %jit3A_449 : f32 to vector<16xf32>
        %select_n3A_452 = arith.select %ge3A_447, %broadcast_in_dim3A_450, %broadcast_in_dim3A_451 : vector<16xi1>, vector<16xf32>
        %eq3A_453 = arith.cmpf oeq, %abs3A_331, %select_n3A_392 : vector<16xf32>
        %jit3A_454 = arith.constant 0.000000e+00 : f32
        %broadcast_in_dim3A_455 = vector.broadcast %jit3A_454 : f32 to vector<16xf32>
        %select_n3A_456 = arith.select %eq3A_453, %select_n3A_452, %broadcast_in_dim3A_455 : vector<16xi1>, vector<16xf32>
        %add3A_457 = arith.addf %sub3A_329, %select_n3A_456 : vector<16xf32>
        %ge3A_458 = arith.constant 0.000000e+00 : f32
        %ge3A_459 = vector.broadcast %ge3A_458 : f32 to vector<16xf32>
        %ge3A_460 = arith.cmpf oge, %sub3A_342, %ge3A_459 : vector<16xf32>
        %jit3A_461 = arith.constant 1.000000e+00 : f32
        %jit3A_462 = arith.constant -1.000000e+00 : f32
        %broadcast_in_dim3A_463 = vector.broadcast %jit3A_461 : f32 to vector<16xf32>
        %broadcast_in_dim3A_464 = vector.broadcast %jit3A_462 : f32 to vector<16xf32>
        %select_n3A_465 = arith.select %ge3A_460, %broadcast_in_dim3A_463, %broadcast_in_dim3A_464 : vector<16xi1>, vector<16xf32>
        %eq3A_466 = arith.cmpf oeq, %abs3A_343, %select_n3A_392 : vector<16xf32>
        %jit3A_467 = arith.constant 0.000000e+00 : f32
        %broadcast_in_dim3A_468 = vector.broadcast %jit3A_467 : f32 to vector<16xf32>
        %select_n3A_469 = arith.select %eq3A_466, %select_n3A_465, %broadcast_in_dim3A_468 : vector<16xi1>, vector<16xf32>
        %add3A_470 = arith.addf %sub3A_341, %select_n3A_469 : vector<16xf32>
        %ge3A_471 = arith.constant 0.000000e+00 : f32
        %ge3A_472 = vector.broadcast %ge3A_471 : f32 to vector<16xf32>
        %ge3A_473 = arith.cmpf oge, %sub3A_354, %ge3A_472 : vector<16xf32>
        %jit3A_474 = arith.constant 1.000000e+00 : f32
        %jit3A_475 = arith.constant -1.000000e+00 : f32
        %broadcast_in_dim3A_476 = vector.broadcast %jit3A_474 : f32 to vector<16xf32>
        %broadcast_in_dim3A_477 = vector.broadcast %jit3A_475 : f32 to vector<16xf32>
        %select_n3A_478 = arith.select %ge3A_473, %broadcast_in_dim3A_476, %broadcast_in_dim3A_477 : vector<16xi1>, vector<16xf32>
        %eq3A_479 = arith.cmpf oeq, %abs3A_355, %select_n3A_392 : vector<16xf32>
        %jit3A_480 = arith.constant 0.000000e+00 : f32
        %broadcast_in_dim3A_481 = vector.broadcast %jit3A_480 : f32 to vector<16xf32>
        %select_n3A_482 = arith.select %eq3A_479, %select_n3A_478, %broadcast_in_dim3A_481 : vector<16xi1>, vector<16xf32>
        %add3A_483 = arith.addf %sub3A_353, %select_n3A_482 : vector<16xf32>
        %ge3A_484 = arith.constant 0.000000e+00 : f32
        %ge3A_485 = vector.broadcast %ge3A_484 : f32 to vector<16xf32>
        %ge3A_486 = arith.cmpf oge, %sub3A_366, %ge3A_485 : vector<16xf32>
        %jit3A_487 = arith.constant 1.000000e+00 : f32
        %jit3A_488 = arith.constant -1.000000e+00 : f32
        %broadcast_in_dim3A_489 = vector.broadcast %jit3A_487 : f32 to vector<16xf32>
        %broadcast_in_dim3A_490 = vector.broadcast %jit3A_488 : f32 to vector<16xf32>
        %select_n3A_491 = arith.select %ge3A_486, %broadcast_in_dim3A_489, %broadcast_in_dim3A_490 : vector<16xi1>, vector<16xf32>
        %eq3A_492 = arith.cmpf oeq, %abs3A_367, %select_n3A_392 : vector<16xf32>
        %jit3A_493 = arith.constant 0.000000e+00 : f32
        %broadcast_in_dim3A_494 = vector.broadcast %jit3A_493 : f32 to vector<16xf32>
        %select_n3A_495 = arith.select %eq3A_492, %select_n3A_491, %broadcast_in_dim3A_494 : vector<16xi1>, vector<16xf32>
        %add3A_496 = arith.addf %sub3A_365, %select_n3A_495 : vector<16xf32>
        %le3A = arith.cmpf ole, %add3A_149, %add3A_389 : vector<16xf32>
        %add3A_497 = arith.constant 5.000000e-01 : f32
        %add3A_498 = vector.broadcast %add3A_497 : f32 to vector<16xf32>
        %add3A_499 = arith.addf %add3A_405, %add3A_498 : vector<16xf32>
        %select_n3A_500 = arith.select %le3A, %add3A_163, %add3A_499 : vector<16xi1>, vector<16xf32>
        tpu.vector_store_idx %arg4[%add3A_37, %broadcast_in_dim3A_1], %select_n3A_500 : memref<512x8xf32, #tpu.memory_space<vmem>>[vector<16xi32>, vector<16xi32>], vector<16xf32>,
        %add3A_501 = arith.constant 5.000000e-01 : f32
        %add3A_502 = vector.broadcast %add3A_501 : f32 to vector<16xf32>
        %add3A_503 = arith.addf %add3A_418, %add3A_502 : vector<16xf32>
        %select_n3A_504 = arith.select %le3A, %add3A_176, %add3A_503 : vector<16xi1>, vector<16xf32>
        tpu.vector_store_idx %arg4[%add3A_37, %broadcast_in_dim3A_3], %select_n3A_504 : memref<512x8xf32, #tpu.memory_space<vmem>>[vector<16xi32>, vector<16xi32>], vector<16xf32>,
        %add3A_505 = arith.constant 5.000000e-01 : f32
        %add3A_506 = vector.broadcast %add3A_505 : f32 to vector<16xf32>
        %add3A_507 = arith.addf %add3A_431, %add3A_506 : vector<16xf32>
        %select_n3A_508 = arith.select %le3A, %add3A_189, %add3A_507 : vector<16xi1>, vector<16xf32>
        tpu.vector_store_idx %arg4[%add3A_37, %broadcast_in_dim3A_5], %select_n3A_508 : memref<512x8xf32, #tpu.memory_space<vmem>>[vector<16xi32>, vector<16xi32>], vector<16xf32>,
        %add3A_509 = arith.constant 5.000000e-01 : f32
        %add3A_510 = vector.broadcast %add3A_509 : f32 to vector<16xf32>
        %add3A_511 = arith.addf %add3A_444, %add3A_510 : vector<16xf32>
        %select_n3A_512 = arith.select %le3A, %add3A_202, %add3A_511 : vector<16xi1>, vector<16xf32>
        tpu.vector_store_idx %arg4[%add3A_37, %broadcast_in_dim3A_7], %select_n3A_512 : memref<512x8xf32, #tpu.memory_space<vmem>>[vector<16xi32>, vector<16xi32>], vector<16xf32>,
        %add3A_513 = arith.constant 5.000000e-01 : f32
        %add3A_514 = vector.broadcast %add3A_513 : f32 to vector<16xf32>
        %add3A_515 = arith.addf %add3A_457, %add3A_514 : vector<16xf32>
        %select_n3A_516 = arith.select %le3A, %add3A_215, %add3A_515 : vector<16xi1>, vector<16xf32>
        tpu.vector_store_idx %arg4[%add3A_37, %broadcast_in_dim3A_9], %select_n3A_516 : memref<512x8xf32, #tpu.memory_space<vmem>>[vector<16xi32>, vector<16xi32>], vector<16xf32>,
        %add3A_517 = arith.constant 5.000000e-01 : f32
        %add3A_518 = vector.broadcast %add3A_517 : f32 to vector<16xf32>
        %add3A_519 = arith.addf %add3A_470, %add3A_518 : vector<16xf32>
        %select_n3A_520 = arith.select %le3A, %add3A_228, %add3A_519 : vector<16xi1>, vector<16xf32>
        tpu.vector_store_idx %arg4[%add3A_37, %broadcast_in_dim3A_11], %select_n3A_520 : memref<512x8xf32, #tpu.memory_space<vmem>>[vector<16xi32>, vector<16xi32>], vector<16xf32>,
        %add3A_521 = arith.constant 5.000000e-01 : f32
        %add3A_522 = vector.broadcast %add3A_521 : f32 to vector<16xf32>
        %add3A_523 = arith.addf %add3A_483, %add3A_522 : vector<16xf32>
        %select_n3A_524 = arith.select %le3A, %add3A_241, %add3A_523 : vector<16xi1>, vector<16xf32>
        tpu.vector_store_idx %arg4[%add3A_37, %broadcast_in_dim3A_13], %select_n3A_524 : memref<512x8xf32, #tpu.memory_space<vmem>>[vector<16xi32>, vector<16xi32>], vector<16xf32>,
        %add3A_525 = arith.constant 5.000000e-01 : f32
        %add3A_526 = vector.broadcast %add3A_525 : f32 to vector<16xf32>
        %add3A_527 = arith.addf %add3A_496, %add3A_526 : vector<16xf32>
        %select_n3A_528 = arith.select %le3A, %add3A_254, %add3A_527 : vector<16xi1>, vector<16xf32>
        tpu.vector_store_idx %arg4[%add3A_37, %broadcast_in_dim3A_15], %select_n3A_528 : memref<512x8xf32, #tpu.memory_space<vmem>>[vector<16xi32>, vector<16xi32>], vector<16xf32>,
      }
      %scan3A_32 = arith.constant 32 : i32
      "tpu.region"() ({
        %run_scoped3A = tpu.sem_alloc : memref<!tpu.dma_semaphore, #tpu.memory_space<semaphore_mem>>
        %dma_start3A = arith.constant 0 : i32
        %dma_start3A_33 = tpu.memref_slice %arg3[%add3A_26, %dma_start3A] : memref<1048576x8xf32, #tpu.memory_space<hbm>> -> memref<512x8xf32, #tpu.memory_space<hbm>>
        %dma_start3A_34 = arith.constant 0 : i32
        %dma_start3A_35 = tpu.memref_slice %arg3[%add3A_26, %dma_start3A_34] : memref<1048576x8xf32, #tpu.memory_space<hbm>> -> memref<512x8xf32, #tpu.memory_space<hbm>>
        tpu.enqueue_dma source(%arg4 : memref<512x8xf32, #tpu.memory_space<vmem>>) target(%dma_start3A_35 : memref<512x8xf32, #tpu.memory_space<hbm>>) target_semaphore(%run_scoped3A : memref<!tpu.dma_semaphore, #tpu.memory_space<semaphore_mem>>)
        %dma_wait3A = arith.constant 0 : i32
        %dma_wait3A_36 = tpu.memref_slice %arg3[%add3A_26, %dma_wait3A] : memref<1048576x8xf32, #tpu.memory_space<hbm>> -> memref<512x8xf32, #tpu.memory_space<hbm>>
        %dma_wait3A_37 = arith.constant 0 : i32
        %dma_wait3A_38 = tpu.memref_slice %arg3[%add3A_26, %dma_wait3A_37] : memref<1048576x8xf32, #tpu.memory_space<hbm>> -> memref<512x8xf32, #tpu.memory_space<hbm>>
        tpu.wait_dma2 semaphore(%run_scoped3A : memref<!tpu.dma_semaphore, #tpu.memory_space<semaphore_mem>>) src(%arg4 : memref<512x8xf32, #tpu.memory_space<vmem>>) dst(%dma_wait3A_38 : memref<512x8xf32, #tpu.memory_space<hbm>>)
        tpu.yield
      }) : () -> ()
    }
    %scan3A_20 = arith.constant 64 : i32
    return
  }
}

</mosaic_0001>

<sc_bundles>
// kernel: _e8_sc.3.cloned.1.call-start
scs
__scs_entry_jumppad:
0x0: {  	(pc) =	sbr.rel $0x88, $3  }
0x1: {  	(tag) =	ssettag $0x0;
	lr =	simm.s32 $0x1  }
0x2: {  	[smem:$0x3FA0] =	sst lr;
	_ =	strace $0xD0000000  }
0x3: {  	_ = 	snop  }
0x4: {  	_ = 	snop  }
0x5: {  	_ = 	snop  }
0x6: {  	_ = 	snop  }
0x7: {  	_ = 	snop  }
__scs_overlays_trampoline_lowered:
0x8: {  	[smem:$0x3FAF] =	sst s0  }
0x9: {  	[smem:$0x3FB0] =	sst s1  }
0xa: {  	[smem:$0x3FB1] =	sst s2  }
0xb: {  	[smem:$0x3FB2] =	sst s3  }
0xc: {  	[smem:$0x3FB3] =	sst s4  }
0xd: {  	[smem:$0x3FB4] =	sst s5  }
0xe: {  	[smem:$0x3FB5] =	sst s6  }
0xf: {  	[smem:$0x3FB6] =	sst s7  }
0x10: {  	[smem:$0x3FB7] =	sst s8  }
0x11: {  	[smem:$0x3FB8] =	sst s9;
	s0 =	simm.s32 @!p0 $0x0  }
0x12: {  	s1 =	sld [smem:$0x3F9E];
	s0 =	simm.s32 @p0 $0x1  }
0x13: {  	[smem:$0x3FB9] =	sst s0;
	s0 =	simm.s32 @!p1 $0x0  }
0x14: {  	s2 =	sld [smem:$0x3F9D];
	s0 =	simm.s32 @p1 $0x1  }
0x15: {  	[smem:$0x3FBA] =	sst s0;
	s0 =	simm.s32 @!p2 $0x0  }
0x16: {  	s3 =	sld [smem:$0x3FDB];
	s0 =	simm.s32 @p2 $0x1  }
0x17: {  	s4 =	simm.s32 $0x1BF5;
	[smem:$0x3FBC] =	sst s0  }
0x18: {  	s0 =	sld [smem:$0x3F9F];
	_ =	swait.ge [sflag:s4], $0x0  }
0x19: {  	s7 =	sld [smem:$0x3FA0]  }
0x1a: {  	s8 =	sadd.s32 $0xFFFFE003, lr  }
0x1b: {  	s9 =	sadd.s32 $0xFFFFFEF7, lr;
	s5 =	simm.s32 $0xFFFFFFFF;
	p2 =	slt.u32 s8, $0xFFFFF086  }
0x1c: {  	p1 =	slt.u32 s9, $0xF7A;
	s5 =	simm.s32 @!p2 $0x0  }
0x1d: {  	s5 =	simm.s32 @p1 $0x1;
	p0 =	seq.s32 s7, s2  }
0x1e: {  	s7 =	smul.u32 @!p0 $0xF7A, s2;
	p2 =	seq.s32 @!p0 s5, $0x0  }
0x1f: {  	s9 =	smul.u32 $0xF7A, s1;
	s8 =	simm.s32 @!p0 $0x1BF5;
	p2 =	por !p2, p0  }
0x20: {  	[sflag:s8] =	ssyncset.s32 @!p0 $0xFFFFF086;
	s6 =	sadd.s32 @!p0 s3, s7;
	s7 =	simm.s32 @!p0 $0x108  }
0x21: {  	s3 =	sadd.s32 s3, s9;
	s6 =	sadd.s32 @!p0 $0x88, s6;
	s7 =	simm.s32 @p2 $0x1082  }
0x22: {  	[simem:s7], [sflag:s8] =	dma.local @!p0 [hbm:s6], $0xF7A  }
0x23: {  	s9 =	sor.u32 $0xD0000000, s2;
	s6 =	simm.s32 $0x108;
	_ =	swait.ge @!p0 [sflag:s8], $0x0  }
0x24: {  	s3 =	sadd.s32 $0x88, s3;
	s6 =	simm.s32 @!p1 $0x1082;
	[sflag:s4] =	ssyncset.s32 $0xFFFFF086  }
0x25: {  	[simem:s6], [sflag:s4] =	dma.local [hbm:s3], $0xF7A  }
0x26: {  	[smem:$0x3FA0] =	sst s1;
	(tag) =	ssettag s2;
	_ =	strace s9  }
0x27: {  	s1 =	sld [smem:$0x3FB0]  }
0x28: {  	s2 =	sld [smem:$0x3FB1]  }
0x29: {  	s4 =	sld [smem:$0x3FB3]  }
0x2a: {  	p0 =	seq.s32 s5, $0x0;
	s5 =	sld [smem:$0x3FB4]  }
0x2b: {  	s6 =	sld [smem:$0x3FB5]  }
0x2c: {  	s7 =	sld [smem:$0x3FB6]  }
0x2d: {  	s3 =	simm.s32 $0x108;
	s8 =	sld [smem:$0x3FB7]  }
0x2e: {  	s3 =	simm.s32 @!p0 $0x1082;
	s9 =	sld [smem:$0x3FB8]  }
0x2f: {  	lr =	sadd.s32 s0, s3;
	s0 =	sld [smem:$0x3FAF]  }
0x30: {  	s3 =	sld [smem:$0x3FB2]  }
0x31: {  	[smem:$0x3FBB] =	sst s10  }
0x32: {  	s10 =	sld [smem:$0x3FB9];
	_ =	sdelay $0x3  }
0x33: {  	p0 =	seq.s32 s10, $0x1;
	s10 =	sld [smem:$0x3FBB];
	_ =	sdelay $0x3  }
0x34: {  	[smem:$0x3FBB] =	sst s10  }
0x35: {  	s10 =	sld [smem:$0x3FBA];
	_ =	sdelay $0x3  }
0x36: {  	p1 =	seq.s32 s10, $0x1;
	s10 =	sld [smem:$0x3FBB];
	_ =	sdelay $0x3  }
0x37: {  	[smem:$0x3FBB] =	sst s10  }
0x38: {  	s10 =	sld [smem:$0x3FBC]  }
0x39: {  	_ = 	snop;
	(pc) =	sbr.ind lr, $3  }
0x3a: {  	_ = 	snop  }
0x3b: {  	_ = 	snop  }
0x3c: {  	p2 =	seq.s32 s10, $0x1;
	s10 =	sld [smem:$0x3FBB]  }
0x3d: {  	_ =	shalt  }
0x3e: {  	_ =	shalt  }
0x3f: {  	_ =	shalt  }
0x40: {  	_ =	shalt  }
0x41: {  	_ =	shalt  }
0x42: {  	_ =	shalt  }
0x43: {  	_ =	shalt  }
0x44: {  	_ =	shalt  }
0x45: {  	_ =	shalt  }
0x46: {  	_ =	shalt  }
0x47: {  	_ =	shalt  }
0x48: {  	_ =	shalt  }
0x49: {  	_ =	shalt  }
0x4a: {  	_ =	shalt  }
0x4b: {  	_ =	shalt  }
0x4c: {  	_ =	shalt  }
0x4d: {  	_ =	shalt  }
0x4e: {  	_ =	shalt  }
0x4f: {  	_ =	shalt  }
0x50: {  	_ =	shalt  }
0x51: {  	_ =	shalt  }
0x52: {  	_ =	shalt  }
0x53: {  	_ =	shalt  }
0x54: {  	_ =	shalt  }
0x55: {  	_ =	shalt  }
0x56: {  	_ =	shalt  }
0x57: {  	_ =	shalt  }
0x58: {  	_ =	shalt  }
0x59: {  	_ =	shalt  }
0x5a: {  	_ =	shalt  }
0x5b: {  	_ =	shalt  }
0x5c: {  	_ =	shalt  }
0x5d: {  	_ =	shalt  }
0x5e: {  	_ =	shalt  }
0x5f: {  	_ =	shalt  }
0x60: {  	_ =	shalt  }
0x61: {  	_ =	shalt  }
0x62: {  	_ =	shalt  }
0x63: {  	_ =	shalt  }
0x64: {  	_ =	shalt  }
0x65: {  	_ =	shalt  }
0x66: {  	_ =	shalt  }
0x67: {  	_ =	shalt  }
0x68: {  	_ =	shalt  }
0x69: {  	_ =	shalt  }
0x6a: {  	_ =	shalt  }
0x6b: {  	_ =	shalt  }
0x6c: {  	_ =	shalt  }
0x6d: {  	_ =	shalt  }
0x6e: {  	_ =	shalt  }
0x6f: {  	_ =	shalt  }
0x70: {  	_ =	shalt  }
0x71: {  	_ =	shalt  }
0x72: {  	_ =	shalt  }
0x73: {  	_ =	shalt  }
0x74: {  	_ =	shalt  }
0x75: {  	_ =	shalt  }
0x76: {  	_ =	shalt  }
0x77: {  	_ =	shalt  }
0x78: {  	_ =	shalt  }
0x79: {  	_ =	shalt  }
0x7a: {  	_ =	shalt  }
0x7b: {  	_ =	shalt  }
0x7c: {  	_ =	shalt  }
0x7d: {  	_ =	shalt  }
0x7e: {  	_ =	shalt  }
0x7f: {  	_ =	shalt  }
0x80: {  	_ =	shalt  }
0x81: {  	_ =	shalt  }
0x82: {  	_ =	shalt  }
0x83: {  	_ =	shalt  }
0x84: {  	_ =	shalt  }
0x85: {  	_ =	shalt  }
0x86: {  	_ =	shalt  }
0x87: {  	_ =	shalt  }
.Lfunc_end0:
.L_simem_size_0:
called_computation_lowered:
.L_overlay_start_0:
0x88: {  	s2 =	sld [smem:$0x3FD9]  }
0x89: {  	s3 =	sld [smem:$0x3FFE];
	_ =	sdelay $0x1  }
0x8a: {  	s1 =	srdreg.scid  }
0x8b: {  	s0 =	sand.u32 $0x1, s1  }
0x8c: {  	s16 =	sshll.u32 s0, $0xA;
	s2 =	sadd.s32 s3, s2  }
0x8d: {  	s2 =	sadd.s32 s2, s16  }
0x8e: {  	[smem:$0x3FC7] =	sst s2  }
0x8f: {  	_ = 	snop  }
0x90: {  	(tm) =	ssettm $0x1  }
0x91: {  	s17 =	sld [smem:$0x3FFB];
	_ =	sdelay $0x3  }
0x92: {  	_ =	strace s17  }
0x93: {  	s2 =	sld [smem:$0x3FFC];
	_ =	sdelay $0x3  }
0x94: {  	_ =	strace s2  }
0x95: {  	s2 =	sld [smem:$0x3FFD];
	_ =	sdelay $0x3  }
0x96: {  	_ =	strace s2  }
0x97: {  	_ =	strace $0x8FFFFFFF  }
0x98: {  	s18 =	sld [smem:$0x3FDB];
	_ =	sdelay $0x1  }
0x99: {  	s19 =	simm.s32 $_scs_section_size  }
0x9a: {  	s4 =	simm.s32 $_size__tile_overlayer_lowered;
	s5 =	simm.s32 $_tile_overlayer_lowered  }
0x9b: {  	s22 =	simm.s32 $0x1BFF;
	s21 =	sshll.u32 s5, $0x1;
	s2 =	sadd.s32 s19, s18  }
0x9c: {  	s6 =	simm.s32 $0x0;
	s20 =	sshll.u32 s4, $0x1;
	s4 =	sadd.s32 s21, s2  }
0x9d: {  	[timem:s6], [sflag:s22] =	dma.local [hbm:s4], s20  }
0x9e: {  	_ =	swait.ge [sflag:s22], s20  }
0x9f: {  	s3 =	ssub.s32 $0x0, s20;
	[sflag:s22] =	ssyncset.done $0x0  }
0xa0: {  	[sflag:s22] =	ssyncadd.s32 s3;
	_ =	sdelay $0x1  }
0xa1: {  	s23 =	simm.s32 $0x1B8B  }
0xa2: {  	_ =	swait.ge [sflag:s23], $0x1  }
0xa3: {  	[sflag:s23] =	ssyncset.done $0x0  }
0xa4: {  	s25 =	simm.s32 $0x1B8E;
	s24 =	sld [smem:$0x3FFE];
	[sflag:s23] =	ssyncadd.s32 $0xFFFFFFFF  }
0xa5: {  	s26 =	simm.s32 $execute0_lowered;
	[smem:$0x3FD2] =	sst s25  }
0xa6: {  	s4 =	sshll.u32 s26, $0x1;
	_ =	strace $0x80000046;
	[dreg:$0x1] =	wrdreg $0xFFFFFFFF  }
0xa7: {  	s28 =	simm.s32 $_size_execute0_lowered;
	s2 =	sadd.s32 s2, s4;
	[dreg:$0x0] =	wrdreg $0x0  }
0xa8: {  	s4 =	sshll.u32 s28, $0x1;
	[dreg:$0x2] =	wrdreg s2  }
0xa9: {  	[dreg:$0x3] =	wrdreg s4  }
0xaa: {  	[dreg:$0x4] =	wrdreg $0xC0  }
0xab: {  	_ =	task [dreg:s6], $0x5FFFF  }
0xac: {  	[dreg:$0x1] =	wrdreg $0xFFFFFFFF  }
0xad: {  	[dreg:$0x0] =	wrdreg $0x60  }
0xae: {  	[dreg:$0x2] =	wrdreg s24  }
0xaf: {  	[dreg:$0x3] =	wrdreg $0x9  }
0xb0: {  	_ =	task.clear_ibuf [dreg:s6], $0x4FFFF;
	_ =	strace $0x90000046  }
0xb1: {  	s29 =	simm.s32 $0x9;
	_ =	strace $0x80000048  }
0xb2: {  	_ =	swait.ge [sflag:s29], $0x1  }
0xb3: {  	[sflag:s29] =	ssyncadd.s32 $0xFFFFFFFF  }
0xb4: {  	_ =	strace $0x90000048  }
0xb5: {  	_ =	sfence  }
0xb6: {  	s30 =	sld [smem:$0x0];
	_ =	sdelay $0x2  }
0xb7: {  	s31 =	sshll.u32 s1, $0xD;
	s1 =	sshrl.u32 s1, $0x2  }
0xb8: {  	s3 =	sand.u32 $0x4000, s31;
	s1 =	sadd.s32 s1, s30  }
0xb9: {  	s0 =	sor.u32 s3, s0;
	s1 =	sshll.u32 s1, $0x11  }
0xba: {  	s0 =	sor.u32 s1, s0  }
0xbb: {  	s0 =	sadd.s32 $0x8F2B, s0  }
0xbc: {  	[sflag:s0] =	ssyncadd.remote.s32 $0x1  }
0xbd: {  	_ =	sfence.sel $0xFFFF  }
0xbe: {  	[dreg:$0x0] =	wrdreg $0xFFFFFFFF;
	(pc) =	sbr.abs _section_cstart, $3  }
0xbf: {  	[dreg:$0x1] =	wrdreg $0xFFFFFFFF  }
0xc0: {  	_ =	task.clear_ibuf [dreg:s6], $0x2FFFF;
	_ =	strace $0x9FFFFFFF  }
0xc1: {  	(tm) =	ssettm $0x7FFFFFFF  }
tec
execute0_lowered:
.L_overlay_start_1:
0x0: {  	(tag) =	ssettag $0x1  }
0x1: {  	s4 =	rddreg [dreg:$0x0]  }
0x2: {  	s0 =	rddreg [dreg:$0x1];
	s1 =	simm.s32 $0x0;
	s2 =	srdreg.scid  }
0x3: {  	[smem:$0x7FF] =	sst s1;
	s5 =	sand.u32 $0x1, s2;
	s3 =	sadd.s32 $0x400, s4  }
0x4: {  	s2 =	stileid.u32;
	s4 =	sadd.s32 $0x1000400, s4;
	s6 =	ssub.s32 $0x2, s5  }
0x5: {  	s8 =	sshll.u32 s2, $0x14;
	s5 =	sshll.u32 s5, $0x13;
	s7 =	sshrl.u32 s6, $0x1  }
0x6: {  	v0 =	vlaneseq.u32;
	_ =	strace $0x80000047;
	s5 =	sor.u32 s5, s8;
	s6 =	ssub.s32 s6, s7  }
0x7: {  	v1 =	vimm.f32 $-1.000000000e+00;
	v0 =	vmul.u32 $0x80, v0;
	s8 =	simm.s32 $0x0;
	s7 =	simm.s32 $0x1;
	s6 =	smax.u32 s6, $0x1  }
.LBB2_1:
0x8: {  	s9 =	simm.s32 $0x0  }
.LBB2_2:
0x9: {  	s10 =	sshll.u32 s9, $0xD  }
0xa: {  	s10 =	sadd.s32 s5, s10  }
0xb: {  	s11 =	simm.s32 $0x0;
	s12 =	sadd.s32 s3, s10  }
0xc: {  	[tilespmem:s11], [sflag:$0x1] =	stream.linear.gather [hbm4b:s12+s11], $0x10000, $0x38;
	[tilespmem:$0x10000] =	vst v63  }
0xd: {  	_ =	swait.ge [sflag:s7], $0x10000  }
0xe: {  	[sflag:s7] =	ssyncset.done $0x0  }
0xf: {  	[sflag:s7] =	ssyncadd.s32 $0xFFFF0000  }
.LBB2_3:
0x10: {  	v2 =	vmov s11  }
0x11: {  	v2 =	vshll.u32 v2, $0x7  }
0x12: {  	v9 =	vor.u32 v0, v2  }
0x13: {  	v8 =	vor.u32 $0x1, v9  }
0x14: {  	v5 =	vor.u32 $0x2, v9  }
0x15: {  	v4 =	vor.u32 $0x3, v9  }
0x16: {  	v3 =	vor.u32 $0x4, v9  }
0x17: {  	v2 =	vor.u32 $0x5, v9;
	v18 =	vld.idx.msk [tilespmem:v9+s1+$0x0], $0xffff  }
0x18: {  	v19 =	vld.idx.msk [tilespmem:v8+s1+$0x0], $0xffff  }
0x19: {  	v22 =	vld.idx.msk [tilespmem:v5+s1+$0x0], $0xffff  }
0x1a: {  	v23 =	vld.idx.msk [tilespmem:v4+s1+$0x0], $0xffff  }
0x1b: {  	v24 =	vld.idx.msk [tilespmem:v3+s1+$0x0], $0xffff  }
0x1c: {  	v25 =	vld.idx.msk [tilespmem:v2+s1+$0x0], $0xffff;
	_ =	sdelay $0x1  }
0x1d: {  	v6 =	vadd.f32 $1.258291200e+07, v18;
	v55 =	vadd.f32 $-5.000000000e-01, v18  }
0x1e: {  	v7 =	vadd.f32 $1.258291200e+07, v19;
	v10 =	vadd.f32 $1.258291200e+07, v22  }
0x1f: {  	v40 =	vadd.f32 $1.258291200e+07, v23;
	v12 =	vadd.f32 $1.258291200e+07, v24  }
0x20: {  	v42 =	vadd.f32 $1.258291200e+07, v25;
	v56 =	vadd.f32 $-5.000000000e-01, v19  }
0x21: {  	v13 =	vadd.f32 $-1.258291200e+07, v6;
	v57 =	vadd.f32 $1.258291200e+07, v55  }
0x22: {  	v16 =	vadd.f32 $-1.258291200e+07, v7;
	v26 =	vadd.f32 $-1.258291200e+07, v10  }
0x23: {  	v28 =	vadd.f32 $-1.258291200e+07, v40;
	v32 =	vadd.f32 $-1.258291200e+07, v12  }
0x24: {  	v12 =	vadd.f32 $-1.258291200e+07, v42;
	v58 =	vadd.f32 $1.258291200e+07, v56  }
0x25: {  	v17 =	vsub.f32 v18, v13;
	v11 =	vadd.f32 v16, v13  }
0x26: {  	v6 =	vor.u32 $0x6, v9;
	v27 =	vsub.f32 v19, v16;
	v30 =	vsub.f32 v22, v26  }
0x27: {  	v35 =	vsub.f32 v23, v28;
	v37 =	vsub.f32 v24, v32  }
0x28: {  	v7 =	vor.u32 $0x7, v9;
	v40 =	vsub.f32 v25, v12;
	v22 =	vadd.f32 $-5.000000000e-01, v22  }
0x29: {  	v23 =	vadd.f32 $-5.000000000e-01, v23;
	v24 =	vadd.f32 $-5.000000000e-01, v24  }
0x2a: {  	v25 =	vadd.f32 $-5.000000000e-01, v25;
	v41 =	vmul.f32 v17, v17;
	v33 =	vand.u32 $0x7FFFFFFF, v17  }
0x2b: {  	vm5 =	vge.f32 v17, $0.0e+00;
	v11 =	vadd.f32 v26, v11;
	v29 =	vld.idx.msk [tilespmem:v6+s1+$0x0], $0xffff;
	v14 =	vmul.f32 v27, v27  }
0x2c: {  	v43 =	vmul.f32 v30, v30;
	v34 =	vand.u32 $0x7FFFFFFF, v27;
	v36 =	vand.u32 $0x7FFFFFFF, v30  }
0x2d: {  	v21 =	vmul.f32 v35, v35;
	v38 =	vand.u32 $0x7FFFFFFF, v35;
	v31 =	vld.idx.msk [tilespmem:v7+s1+$0x0], $0xffff;
	v11 =	vadd.f32 v28, v11  }
0x2e: {  	v46 =	vmul.f32 v37, v37;
	v39 =	vand.u32 $0x7FFFFFFF, v37;
	v42 =	vand.u32 $0x7FFFFFFF, v40  }
0x2f: {  	v17 =	vsel vm5, $0x3F800000, v1;
	vm7 =	vge.f32 v27, $0.0e+00;
	v11 =	vadd.f32 v32, v11  }
0x30: {  	vm8 =	vge.f32 v30, $0.0e+00;
	v59 =	vadd.f32 $1.258291200e+07, v22;
	v44 =	vadd.f32 $1.258291200e+07, v29  }
0x31: {  	vm11 =	vge.f32 v35, $0.0e+00;
	v10 =	vadd.f32 v14, v41;
	v11 =	vadd.f32 v12, v11  }
0x32: {  	vm13 =	vge.f32 v37, $0.0e+00;
	v45 =	vadd.f32 $1.258291200e+07, v31;
	v14 =	vadd.f32 $-1.258291200e+07, v44  }
0x33: {  	vm15 =	vge.f32 v40, $0.0e+00;
	v61 =	vadd.f32 $1.258291200e+07, v23;
	v15 =	vadd.f32 v43, v10  }
0x34: {  	v20 =	vmax.f32 v33, v34;
	v10 =	vadd.f32 $-1.258291200e+07, v45;
	v11 =	vadd.f32 v14, v11  }
0x35: {  	v62 =	vadd.f32 $1.258291200e+07, v24;
	v27 =	vsel vm7, $0x3F800000, v1;
	v20 =	vmax.f32 v20, v36  }
0x36: {  	v30 =	vsel vm8, $0x3F800000, v1;
	v20 =	vmax.f32 v20, v38;
	v11 =	vadd.f32 v10, v11  }
0x37: {  	v47 =	vmax.f32 v20, v39;
	v15 =	vadd.f32 v21, v15;
	v41 =	vsub.f32 v29, v14  }
0x38: {  	v43 =	vmul.f32 v40, v40;
	v20 =	vsub.f32 v31, v10;
	v11 =	vmul.f32 $5.000000000e-01, v11  }
0x39: {  	v21 =	vadd.f32 v46, v15;
	v15 =	vmax.f32 v47, v42;
	v44 =	vand.u32 $0x7FFFFFFF, v41  }
0x3a: {  	v45 =	vmax.f32 v15, v44;
	v15 =	vand.u32 $0x7FFFFFFF, v20;
	v46 =	vadd.f32 $1.258291200e+07, v11  }
0x3b: {  	v21 =	vadd.f32 v43, v21;
	v48 =	vmul.f32 v41, v41;
	v45 =	vmax.f32 v45, v15  }
0x3c: {  	v53 =	vsel vm11, $0x3F800000, v1;
	v47 =	vadd.f32 v45, v45;
	v46 =	vadd.f32 $-1.258291200e+07, v46  }
0x3d: {  	v54 =	vsel vm13, $0x3F800000, v1;
	v49 =	vmul.f32 v20, v20;
	v21 =	vadd.f32 v48, v21  }
0x3e: {  	v50 =	vsub.f32 $1.000000000e+00, v47;
	vm0 =	vlt.f32 v46, v11;
	vm1 =	vgt.f32 v46, v11  }
0x3f: {  	v35 =	vsel vm15, $0x3F800000, v1;
	v21 =	vadd.f32 v49, v21;
	vm0 =	vmor vm1, vm0  }
0x40: {  	v29 =	vadd.f32 $-5.000000000e-01, v29;
	v31 =	vadd.f32 $-5.000000000e-01, v31;
	v11 =	vnsel vm0, $0x0, v50  }
0x41: {  	vm5 =	vge.f32 v41, $0.0e+00;
	v11 =	vadd.f32 v11, v21;
	v21 =	vnsel vm0, $0xBF800000, v45  }
0x42: {  	v63 =	vsel vm5, $0x3F800000, v1;
	vm6 =	veq.f32 v33, v21;
	vm9 =	veq.f32 v34, v21  }
0x43: {  	vm10 =	veq.f32 v36, v21;
	vm12 =	veq.f32 v38, v21;
	vm14 =	veq.f32 v39, v21  }
0x44: {  	v34 =	vadd.f32 $-1.258291200e+07, v61;
	v36 =	vadd.f32 $-1.258291200e+07, v62;
	v17 =	vnsel vm6, $0x0, v17  }
0x45: {  	v51 =	vnsel vm9, $0x0, v27;
	v27 =	vnsel vm14, $0x0, v54;
	v54 =	vadd.f32 $1.258291200e+07, v25  }
0x46: {  	v52 =	vnsel vm10, $0x0, v30;
	v17 =	vadd.f32 v17, v13;
	v16 =	vadd.f32 v51, v16  }
0x47: {  	vm4 =	veq.f32 v42, v21;
	v13 =	vadd.f32 v52, v26;
	v18 =	vadd.f32 v27, v32  }
0x48: {  	v35 =	vnsel vm4, $0x0, v35;
	v27 =	vadd.f32 $-1.258291200e+07, v58;
	v58 =	vadd.f32 $1.258291200e+07, v29  }
0x49: {  	v26 =	vnsel vm12, $0x0, v53;
	v23 =	vsub.f32 v23, v34;
	v24 =	vsub.f32 v24, v36  }
0x4a: {  	vm6 =	veq.f32 v44, v21;
	v12 =	vadd.f32 v35, v12;
	v19 =	vadd.f32 v26, v28  }
0x4b: {  	v37 =	vnsel vm6, $0x0, v63;
	v26 =	vadd.f32 $-1.258291200e+07, v57;
	v28 =	vadd.f32 $-1.258291200e+07, v59  }
0x4c: {  	v39 =	vadd.f32 $-1.258291200e+07, v54;
	v14 =	vadd.f32 v37, v14  }
0x4d: {  	vm10 =	vge.f32 v20, $0.0e+00;
	v33 =	vsub.f32 v56, v27;
	v60 =	vadd.f32 v27, v26  }
0x4e: {  	v43 =	vadd.f32 $-1.258291200e+07, v58;
	v61 =	vmul.f32 v23, v23;
	v48 =	vand.u32 $0x7FFFFFFF, v23  }
0x4f: {  	v62 =	vmul.f32 v24, v24;
	v44 =	vand.u32 $0x7FFFFFFF, v24;
	v32 =	vadd.f32 v28, v60  }
0x50: {  	vm15 =	vge.f32 v23, $0.0e+00;
	v30 =	vsub.f32 v55, v26;
	v22 =	vsub.f32 v22, v28  }
0x51: {  	vm6 =	vge.f32 v24, $0.0e+00;
	v25 =	vsub.f32 v25, v39;
	v32 =	vadd.f32 v34, v32  }
0x52: {  	v23 =	vsel vm15, $0x3F800000, v1;
	v56 =	vmul.f32 v33, v33;
	v42 =	vand.u32 $0x7FFFFFFF, v33  }
0x53: {  	v29 =	vsub.f32 v29, v43;
	v55 =	vmul.f32 v30, v30;
	v32 =	vadd.f32 v36, v32  }
0x54: {  	vm12 =	vge.f32 v33, $0.0e+00;
	v38 =	vand.u32 $0x7FFFFFFF, v30;
	v60 =	vadd.f32 $1.258291200e+07, v31  }
0x55: {  	v59 =	vmul.f32 v22, v22;
	v40 =	vadd.f32 v56, v55;
	v32 =	vadd.f32 v39, v32  }
0x56: {  	v46 =	vand.u32 $0x7FFFFFFF, v22;
	v45 =	vand.u32 $0x7FFFFFFF, v25;
	v47 =	vadd.f32 $-1.258291200e+07, v60  }
0x57: {  	v57 =	vmax.f32 v38, v42;
	v40 =	vadd.f32 v59, v40;
	v32 =	vadd.f32 v43, v32  }
0x58: {  	v49 =	vmul.f32 v25, v25;
	vm9 =	vge.f32 v30, $0.0e+00;
	v41 =	vmax.f32 v57, v46  }
0x59: {  	v41 =	vmax.f32 v41, v48;
	v40 =	vadd.f32 v61, v40;
	v32 =	vadd.f32 v47, v32  }
0x5a: {  	v50 =	vand.u32 $0x7FFFFFFF, v29;
	v41 =	vmax.f32 v41, v44;
	v31 =	vsub.f32 v31, v47  }
0x5b: {  	v41 =	vmax.f32 v41, v45;
	v40 =	vadd.f32 v62, v40;
	v32 =	vmul.f32 $5.000000000e-01, v32  }
0x5c: {  	vm14 =	vge.f32 v22, $0.0e+00;
	v52 =	vmul.f32 v29, v29;
	v41 =	vmax.f32 v41, v50  }
0x5d: {  	v40 =	vadd.f32 v49, v40;
	v49 =	vand.u32 $0x7FFFFFFF, v31;
	v51 =	vadd.f32 $1.258291200e+07, v32  }
0x5e: {  	v60 =	vsel vm10, $0x3F800000, v1;
	v59 =	vsel vm9, $0x3F800000, v1;
	v41 =	vmax.f32 v41, v49  }
0x5f: {  	vm9 =	vge.f32 v25, $0.0e+00;
	v53 =	vadd.f32 v41, v41;
	v51 =	vadd.f32 $-1.258291200e+07, v51  }
0x60: {  	v63 =	vmul.f32 v31, v31;
	v61 =	vsel vm12, $0x3F800000, v1;
	v40 =	vadd.f32 v52, v40  }
0x61: {  	v55 =	vsub.f32 $1.000000000e+00, v53;
	vm7 =	vlt.f32 v51, v32;
	vm8 =	vgt.f32 v51, v32  }
0x62: {  	v56 =	vadd.f32 v63, v40;
	v63 =	vsel vm14, $0x3F800000, v1;
	vm0 =	vmor vm8, vm7  }
0x63: {  	v40 =	vsel vm6, $0x3F800000, v1;
	vm7 =	veq.f32 v15, v21;
	v58 =	vnsel vm0, $0xBF800000, v41  }
0x64: {  	v57 =	vnsel vm0, $0x0, v55;
	vm11 =	veq.f32 v38, v58;
	vm13 =	veq.f32 v42, v58  }
0x65: {  	vm4 =	veq.f32 v46, v58;
	vm5 =	veq.f32 v48, v58;
	vm8 =	veq.f32 v44, v58  }
0x66: {  	v41 =	vadd.f32 v57, v56;
	v42 =	vsel vm9, $0x3F800000, v1;
	vm10 =	veq.f32 v45, v58  }
0x67: {  	vm12 =	veq.f32 v50, v58;
	vm14 =	veq.f32 v49, v58;
	v20 =	vnsel vm11, $0x0, v59  }
0x68: {  	v62 =	vnsel vm13, $0x0, v61;
	v37 =	vnsel vm4, $0x0, v63;
	v23 =	vnsel vm5, $0x0, v23  }
0x69: {  	v15 =	vnsel vm8, $0x0, v40;
	v24 =	vnsel vm10, $0x0, v42;
	vm11 =	vge.f32 v29, $0.0e+00  }
0x6a: {  	vm13 =	vge.f32 v31, $0.0e+00;
	v20 =	vadd.f32 v20, v26;
	v22 =	vadd.f32 v62, v27  }
0x6b: {  	v44 =	vadd.f32 v37, v28;
	v45 =	vsel vm11, $0x3F800000, v1;
	v23 =	vadd.f32 v23, v34  }
0x6c: {  	v46 =	vsel vm13, $0x3F800000, v1;
	v15 =	vadd.f32 v15, v36;
	v20 =	vadd.f32 $5.000000000e-01, v20  }
0x6d: {  	vm15 =	vle.f32 v11, v41;
	v50 =	vadd.f32 v24, v39;
	v48 =	vadd.f32 $5.000000000e-01, v22  }
0x6e: {  	v26 =	vnsel vm12, $0x0, v45;
	v49 =	vadd.f32 $5.000000000e-01, v44;
	v17 =	vsel vm15, v17, v20  }
0x6f: {  	v27 =	vnsel vm14, $0x0, v46;
	v52 =	vadd.f32 $5.000000000e-01, v23;
	v51 =	vsel vm15, v16, v48;
	[tilespmem:v9+s1+$0x0] =	vst.idx.msk $0xffff, v17  }
0x70: {  	v53 =	vadd.f32 v26, v43;
	v55 =	vadd.f32 $5.000000000e-01, v15;
	v54 =	vsel vm15, v13, v49;
	[tilespmem:v8+s1+$0x0] =	vst.idx.msk $0xffff, v51  }
0x71: {  	p0 =	sne.s32 s11, $0x1F0;
	v56 =	vadd.f32 v27, v47;
	v58 =	vadd.f32 $5.000000000e-01, v50;
	v57 =	vsel vm15, v19, v52;
	[tilespmem:v5+s1+$0x0] =	vst.idx.msk $0xffff, v54  }
.Ltmp0:
0x72: {  	v59 =	vnsel vm7, $0x0, v60;
	v60 =	vsel vm15, v18, v55;
	v61 =	vadd.f32 $5.000000000e-01, v53;
	[tilespmem:v4+s1+$0x0] =	vst.idx.msk $0xffff, v57;
	(pc) =	sbr.rel @p0 .LBB2_3-.Ltmp0, $4  }
0x73: {  	v62 =	vadd.f32 v59, v10;
	v63 =	vadd.f32 $5.000000000e-01, v56;
	[tilespmem:v3+s1+$0x0] =	vst.idx.msk $0xffff, v60;
	v3 =	vsel vm15, v12, v58  }
0x74: {  	[tilespmem:v2+s1+$0x0] =	vst.idx.msk $0xffff, v3;
	v2 =	vsel vm15, v14, v61  }
0x75: {  	[tilespmem:v6+s1+$0x0] =	vst.idx.msk $0xffff, v2;
	v2 =	vsel vm15, v62, v63  }
0x76: {  	s11 =	sadd.s32 $0x10, s11;
	[tilespmem:v7+s1+$0x0] =	vst.idx.msk $0xffff, v2  }
0x77: {  	s9 =	sadd.s32 $0x1, s9  }
0x78: {  	p0 =	sne.s32 s9, $0x40  }
.Ltmp1:
0x79: {  	s10 =	sadd.s32 s4, s10;
	(pc) =	sbr.rel @p0 .LBB2_2-.Ltmp1, $4  }
0x7a: {  	[hbm4b:s10+s1] =	stream.linear.scatter [tilespmem:s1], [sflag:$0x1], $0x10000, $0x38;
	[tilespmem:$0x10000] =	vst v63  }
0x7b: {  	_ =	swait.ge [sflag:s7], $0x10000  }
0x7c: {  	[sflag:s7] =	ssyncset.done $0x0  }
0x7d: {  	[sflag:s7] =	ssyncadd.s32 $0xFFFF0000  }
0x7e: {  	s8 =	sadd.s32 $0x1, s8  }
0x7f: {  	p0 =	sne.s32 s8, s6  }
.Ltmp2:
0x80: {  	_ = 	snop;
	(pc) =	sbr.rel @p0 .LBB2_1-.Ltmp2, $1  }
0x81: {  	_ =	sdelay $0x3  }
0x82: {  	_ =	sfence.sel $0x180000  }
0x83: {  	[bflag:$0x0] =	sbarrier.arrive $0xFFFF  }
0x84: {  	p0 =	sne.s32 s2, $0x0;
	_ =	strace $0x90000047  }
0x85: {  	s0 =	sadd.s32 @!p0 $0x100000, s0;
	[bflag:$0x2] =	sbarrier.arrive $0xFFFF  }
0x86: {  	[sflag:s0] =	ssyncadd.tile.s32 @!p0 $0x1;
	_ =	shalt  }
.Lfunc_end2:
_tile_overlayer_lowered:
.L_overlay_start_2:
0x87: {  	(tag) =	ssettag $0x2  }
0x88: {  	s0 =	rddreg [dreg:$0x0];
	s2 =	stileid.u32  }
0x89: {  	s1 =	rddreg [dreg:$0x1];
	p0 =	sne.s32 s2, $0x0  }
0x8a: {  	s3 =	rddreg [dreg:$0x2];
	[bflag:$0x3] =	sbarrier.arrive $0xFFFF;
	s2 =	simm.s32 @!p0 $0x1C01  }
0x8b: {  	[timem:s3], [sflag:s2] =	dma.local @!p0 [hbm:s0], s1  }
0x8c: {  	s0 =	simm.s32 @!p0 $0x1  }
0x8d: {  	_ =	swait.ge @!p0 [sflag:s0], s1  }
0x8e: {  	s1 =	ssub.s32 @!p0 $0x0, s1;
	[sflag:s0] =	ssyncset.done @!p0 $0x0  }
0x8f: {  	[sflag:s0] =	ssyncadd.s32 @!p0 s1  }
0x90: {  	[bflag:$0x3] =	sbarrier.arrive $0xFFFF  }
0x91: {  	_ =	shalt  }

</sc_bundles>
